<compile_context>
chip_gen: v7x
topology: tpu7x:2x2x1
jax: 0.10.2.dev20260603
libtpu: 0.0.44.dev20260713+nightly
codegen_flags: <defaults>
</compile_context>

<pallas_src>
import functools

import jax
import jax.numpy as jnp
from jax import lax
from jax.experimental import pallas as pl
from jax.experimental.pallas import tpu as pltpu
from jax.experimental.pallas import tpu_sc as plsc

NC = 1
NS = 16
LANES = 16


def _proj_body(x_ref, w1_ref, b1_ref, w2_ref, b2_ref, wl_ref, wr_ref,
               hl_ref, hr_ref):
    x = x_ref[...]
    h = jnp.maximum(
        jnp.dot(x, w1_ref[...], preferred_element_type=jnp.float32)
        + b1_ref[...], 0.0)
    h = jnp.dot(h, w2_ref[...], preferred_element_type=jnp.float32) + b2_ref[...]
    hl_ref[...] = jnp.dot(h, wl_ref[...], preferred_element_type=jnp.float32)
    hr_ref[...] = jnp.dot(h, wr_ref[...], preferred_element_type=jnp.float32)


def _dense_proj(x, W1, b1, W2, b2, Wl, Wr):
    n, d = x.shape
    hdim = W1.shape[1]
    blk = 1000
    full = lambda *shape: pl.BlockSpec(shape, lambda i: (0,) * len(shape))
    return pl.pallas_call(
        _proj_body,
        grid=(n // blk,),
        in_specs=[
            pl.BlockSpec((blk, d), lambda i: (i, 0)),
            full(d, hdim), full(1, hdim), full(hdim, d), full(1, d),
            full(d, d), full(d, d),
        ],
        out_specs=[pl.BlockSpec((blk, d), lambda i: (i, 0))] * 2,
        out_shape=[jax.ShapeDtypeStruct((n, d), jnp.float32)] * 2,
    )(x, W1, b1.reshape(1, -1), W2, b2.reshape(1, -1), Wl, Wr)


def _edge_w_kernel(n, e, d, chunk):
    e_per_w = e // (NC * NS)
    n_chunks = e_per_w // chunk
    nsub = d // LANES
    mesh = plsc.VectorSubcoreMesh(core_axis_name="c", subcore_axis_name="s",
                                  num_cores=NC, num_subcores=NS)

    @functools.partial(
        pl.kernel,
        out_type=jax.ShapeDtypeStruct((e, d), jnp.float32),
        mesh=mesh,
        scratch_types=[
            pltpu.VMEM((chunk,), jnp.int32),
            pltpu.VMEM((chunk,), jnp.int32),
            pltpu.VMEM((chunk, d), jnp.float32),
            pltpu.VMEM((chunk, d), jnp.float32),
            pltpu.VMEM((d,), jnp.float32),
        ],
    )
    def edge_w(hl_hbm, hr_hbm, src_hbm, dst_hbm, att_hbm, w_hbm,
               sidx, didx, arows, brows, attv):
        cid = lax.axis_index("c")
        sid = lax.axis_index("s")
        ebase = (cid * NS + sid) * e_per_w
        pltpu.sync_copy(att_hbm, attv)
        att_regs = [attv[pl.ds(j * LANES, LANES)] for j in range(nsub)]

        def chunk_body(g, _):
            base = ebase + g * chunk
            pltpu.sync_copy(src_hbm.at[pl.ds(base, chunk)], sidx)
            pltpu.sync_copy(dst_hbm.at[pl.ds(base, chunk)], didx)
            pltpu.sync_copy(hl_hbm.at[sidx], arows)
            pltpu.sync_copy(hr_hbm.at[didx], brows)

            def edge_body(k, _):
                for j in range(nsub):
                    sl = pl.ds(j * LANES, LANES)
                    z = arows[k, sl] + brows[k, sl]
                    z = jnp.maximum(z, 0.0) + 0.2 * jnp.minimum(z, 0.0)
                    arows[k, sl] = z * att_regs[j]
                return _

            lax.fori_loop(0, chunk, edge_body, None)
            pltpu.sync_copy(arows, w_hbm.at[pl.ds(base, chunk), :])
            return _

        lax.fori_loop(0, n_chunks, chunk_body, None)

    return edge_w


def _logit_body(w_ref, s_ref):
    s = jnp.exp(jnp.sum(w_ref[...], axis=1, keepdims=True))
    s_ref[...] = jnp.broadcast_to(s, s_ref.shape)


def _edge_logits(w):
    e, d = w.shape
    blk = 4000
    return pl.pallas_call(
        _logit_body,
        grid=(e // blk,),
        in_specs=[pl.BlockSpec((blk, d), lambda i: (i, 0))],
        out_specs=pl.BlockSpec((blk, LANES), lambda i: (i, 0)),
        out_shape=jax.ShapeDtypeStruct((e, LANES), jnp.float32),
    )(w)


def _edge_scale_kernel(n, e, d, chunk):
    e_per_w = e // (NC * NS)
    n_chunks = e_per_w // chunk
    nsub = d // LANES
    mesh = plsc.VectorSubcoreMesh(core_axis_name="c", subcore_axis_name="s",
                                  num_cores=NC, num_subcores=NS)

    @functools.partial(
        pl.kernel,
        out_type=jax.ShapeDtypeStruct((e, d), jnp.float32),
        mesh=mesh,
        scratch_types=[
            pltpu.VMEM((chunk,), jnp.int32),
            pltpu.VMEM((chunk, d), jnp.float32),
            pltpu.VMEM((chunk, LANES), jnp.float32),
        ],
    )
    def edge_scale(hl_hbm, src_hbm, s_hbm, p_hbm, sidx, arows, srows):
        cid = lax.axis_index("c")
        sid = lax.axis_index("s")
        ebase = (cid * NS + sid) * e_per_w

        def chunk_body(g, _):
            off = ebase + g * chunk
            pltpu.sync_copy(src_hbm.at[pl.ds(off, chunk)], sidx)
            pltpu.sync_copy(hl_hbm.at[sidx], arows)
            pltpu.sync_copy(s_hbm.at[pl.ds(off, chunk), :], srows)

            def edge_body(k, _):
                s = srows[k, :]
                for j in range(nsub):
                    sl = pl.ds(j * LANES, LANES)
                    arows[k, sl] = arows[k, sl] * s
                return _

            lax.fori_loop(0, chunk, edge_body, None)
            pltpu.sync_copy(arows, p_hbm.at[pl.ds(off, chunk), :])
            return _

        lax.fori_loop(0, n_chunks, chunk_body, None)

    return edge_scale


def _agg_body(dst_ref, p_ref, s_ref, num_ref, den_ref, *, nblk):
    j = pl.program_id(1)

    @pl.when(j == 0)
    def _():
        num_ref[...] = jnp.zeros_like(num_ref)
        den_ref[...] = jnp.zeros_like(den_ref)

    nbase = pl.program_id(0) * nblk
    dstv = dst_ref[0, 0, :]
    cols = nbase + lax.broadcasted_iota(jnp.int32, (1, nblk), 1)
    onehot = (dstv[:, None] == cols).astype(jnp.float32)
    dims = (((0,), (0,)), ((), ()))
    num_ref[...] += lax.dot_general(onehot, p_ref[...], dims,
                                    preferred_element_type=jnp.float32)
    den_ref[...] += lax.dot_general(onehot, s_ref[...], dims,
                                    preferred_element_type=jnp.float32)


def _seg_agg(dst, p, s, n):
    e, d = p.shape
    eb, nblk = 1600, 1000
    dst3 = dst.reshape(e // eb, 1, eb)
    body = functools.partial(_agg_body, nblk=nblk)
    return pl.pallas_call(
        body,
        grid=(n // nblk, e // eb),
        in_specs=[
            pl.BlockSpec((1, 1, eb), lambda i, j: (j, 0, 0)),
            pl.BlockSpec((eb, d), lambda i, j: (j, 0)),
            pl.BlockSpec((eb, LANES), lambda i, j: (j, 0)),
        ],
        out_specs=[
            pl.BlockSpec((nblk, d), lambda i, j: (i, 0)),
            pl.BlockSpec((nblk, LANES), lambda i, j: (i, 0)),
        ],
        out_shape=[
            jax.ShapeDtypeStruct((n, d), jnp.float32),
            jax.ShapeDtypeStruct((n, LANES), jnp.float32),
        ],
    )(dst3, p, s)


def _combine_body(num_ref, den_ref, bias_ref, out_ref):
    den = den_ref[:, 0:1]
    out_ref[...] = num_ref[...] / (den + 1e-16) + bias_ref[...]


def _combine(num, den, bias):
    n, d = num.shape
    blk = 1000
    return pl.pallas_call(
        _combine_body,
        grid=(n // blk,),
        in_specs=[
            pl.BlockSpec((blk, d), lambda i: (i, 0)),
            pl.BlockSpec((blk, LANES), lambda i: (i, 0)),
            pl.BlockSpec((1, d), lambda i: (0, 0)),
        ],
        out_specs=pl.BlockSpec((blk, d), lambda i: (i, 0)),
        out_shape=jax.ShapeDtypeStruct((n, d), jnp.float32),
    )(num, den, bias.reshape(1, -1))


def kernel(x, edge_index, W1, b1, W2, b2, Wl, Wr, att, bias):
    n, d = x.shape
    e = edge_index.shape[1]
    chunk = 80
    assert e % (NC * NS * chunk) == 0

    hl, hr = _dense_proj(x, W1, b1, W2, b2, Wl, Wr)
    src = edge_index[0].astype(jnp.int32)
    dst = edge_index[1].astype(jnp.int32)

    w = _edge_w_kernel(n, e, d, chunk)(hl, hr, src, dst, att)
    s = _edge_logits(w)
    p = _edge_scale_kernel(n, e, d, chunk)(hl, src, s)
    num, den = _seg_agg(dst, p, s, n)
    return _combine(num, den, bias)

# --- scband reference (transcript-rebuilt; emitter-appended) ---
"""Pipeline reference for scband-dbgnnlayer-44573170598126 (READ-ONLY COPY).

The authoritative reference and input builder live on the scoring server;
editing this copy changes nothing except your own understanding.
"""

import jax, jax.numpy as jnp
import numpy as np

N = 10000
E = 320000
D = 128
H = D // 2


def setup_inputs(seed: int = 0) -> dict:
    key = jax.random.key(seed)
    ks = jax.random.split(key, 12)
    x = jax.random.normal(ks[0], (N, D), dtype=jnp.float32)
    edge_index = jax.random.randint(ks[1], (2, E), 0, N, dtype=jnp.int64)
    # table_projection['node']: Linear(D, D//2) -> ReLU -> Linear(D//2, D)
    W1 = jax.random.normal(ks[2], (D, H), dtype=jnp.float32) * (1.0 / np.sqrt(D))
    b1 = jnp.zeros((H,), dtype=jnp.float32)
    W2 = jax.random.normal(ks[3], (H, D), dtype=jnp.float32) * (1.0 / np.sqrt(H))
    b2 = jnp.zeros((D,), dtype=jnp.float32)
    # GATv2Conv(-1, D, heads=1, concat=True, add_self_loops=False)
    Wl = jax.random.normal(ks[4], (D, D), dtype=jnp.float32) * (1.0 / np.sqrt(D))  # lin_l (source)
    Wr = jax.random.normal(ks[5], (D, D), dtype=jnp.float32) * (1.0 / np.sqrt(D))  # lin_r (target)
    att = jax.random.normal(ks[6], (D,), dtype=jnp.float32) * (1.0 / np.sqrt(D))
    bias = jnp.zeros((D,), dtype=jnp.float32)
    return {"x": x, "edge_index": edge_index, "W1": W1, "b1": b1, "W2": W2, "b2": b2,
            "Wl": Wl, "Wr": Wr, "att": att, "bias": bias}


def reference(x, edge_index, W1, b1, W2, b2, Wl, Wr, att, bias):
    # table projection (MLP) on the single node type
    h = jnp.maximum(x @ W1 + b1, 0.0) @ W2 + b2
    src = edge_index[0]
    dst = edge_index[1]
    # GATv2 attention: e_ij = att . leaky_relu(Wl h_j + Wr h_i)
    hl = h @ Wl  # messages from source
    hr = h @ Wr  # target transform
    pre = hl[src] + hr[dst]                      # gather over edges
    e = jax.nn.leaky_relu(pre, 0.2) @ att        # [E]
    # segment softmax over incoming edges per destination node
    m = jax.ops.segment_max(e, dst, num_segments=N)
    ex = jnp.exp(e - m[dst])
    denom = jax.ops.segment_sum(ex, dst, num_segments=N)
    alpha = ex / (denom[dst] + 1e-16)
    # weighted scatter-add aggregation
    out = jax.ops.segment_sum(alpha[:, None] * hl[src], dst, num_segments=N)
    return out + bias

if __name__ == "__main__":
    import jax
    _d = setup_inputs()
    print(jax.jit(kernel)(*tuple(_d.values())))

</pallas_src>

<mosaic_0001>
#map = affine_map<(d0, d1) -> (0, 0)>
#map1 = affine_map<(d0, d1) -> (0)>
module attributes {stable_mosaic.version = 14 : i64} {
  func.func @edge_w(%arg0: i32, %arg1: i32, %arg2: memref<10000x128xf32, #tpu.memory_space<hbm>>, %arg3: memref<10000x128xf32, #tpu.memory_space<hbm>>, %arg4: memref<320000xi32, #tpu.memory_space<hbm>>, %arg5: memref<320000xi32, #tpu.memory_space<hbm>>, %arg6: memref<128xf32, #tpu.memory_space<hbm>>, %arg7: memref<320000x128xf32, #tpu.memory_space<hbm>>, %arg8: memref<80xi32, #tpu.memory_space<vmem>>, %arg9: memref<80xi32, #tpu.memory_space<vmem>>, %arg10: memref<80x128xf32, #tpu.memory_space<vmem>>, %arg11: memref<80x128xf32, #tpu.memory_space<vmem>>, %arg12: memref<128xf32, #tpu.memory_space<vmem>>) attributes {dimension_semantics = [#tpu.dimension_semantics<core_parallel>, #tpu.dimension_semantics<subcore_parallel>], iteration_bounds = array<i64: 1, 16>, scalar_prefetch = 0 : i64, scratch_operands = 5 : i64, tpu.core_type = #tpu.core_type<sc_vector_subcore>, window_params = [{transform_indices = #map}, {transform_indices = #map}, {transform_indices = #map1}, {transform_indices = #map1}, {transform_indices = #map1}, {transform_indices = #map}]} {
    %mul3A = arith.constant 16 : i32
    %mul3A_0 = arith.muli %arg0, %mul3A : i32
    %add3A = arith.addi %mul3A_0, %arg1 : i32
    %mul3A_1 = arith.constant 20000 : i32
    %mul3A_2 = arith.muli %add3A, %mul3A_1 : i32
    "tpu.region"() ({
      %run_scoped3A = tpu.sem_alloc : memref<!tpu.dma_semaphore, #tpu.memory_space<semaphore_mem>>
      tpu.enqueue_dma source(%arg6 : memref<128xf32, #tpu.memory_space<hbm>>) target(%arg12 : memref<128xf32, #tpu.memory_space<vmem>>) target_semaphore(%run_scoped3A : memref<!tpu.dma_semaphore, #tpu.memory_space<semaphore_mem>>)
      tpu.wait_dma2 semaphore(%run_scoped3A : memref<!tpu.dma_semaphore, #tpu.memory_space<semaphore_mem>>) src(%arg6 : memref<128xf32, #tpu.memory_space<hbm>>) dst(%arg12 : memref<128xf32, #tpu.memory_space<vmem>>)
      tpu.yield
    }) : () -> ()
    %get3A = arith.constant 0 : index
    %get3A_3 = tpu.vector_load %arg12[%get3A] {strides = array<i32>} : memref<128xf32, #tpu.memory_space<vmem>>, vector<16xf32>,
    %get3A_4 = vector.shape_cast %get3A_3 : vector<16xf32> to vector<16xf32>
    %get3A_5 = arith.constant 16 : index
    %get3A_6 = tpu.vector_load %arg12[%get3A_5] {strides = array<i32>} : memref<128xf32, #tpu.memory_space<vmem>>, vector<16xf32>,
    %get3A_7 = vector.shape_cast %get3A_6 : vector<16xf32> to vector<16xf32>
    %get3A_8 = arith.constant 32 : index
    %get3A_9 = tpu.vector_load %arg12[%get3A_8] {strides = array<i32>} : memref<128xf32, #tpu.memory_space<vmem>>, vector<16xf32>,
    %get3A_10 = vector.shape_cast %get3A_9 : vector<16xf32> to vector<16xf32>
    %get3A_11 = arith.constant 48 : index
    %get3A_12 = tpu.vector_load %arg12[%get3A_11] {strides = array<i32>} : memref<128xf32, #tpu.memory_space<vmem>>, vector<16xf32>,
    %get3A_13 = vector.shape_cast %get3A_12 : vector<16xf32> to vector<16xf32>
    %get3A_14 = arith.constant 64 : index
    %get3A_15 = tpu.vector_load %arg12[%get3A_14] {strides = array<i32>} : memref<128xf32, #tpu.memory_space<vmem>>, vector<16xf32>,
    %get3A_16 = vector.shape_cast %get3A_15 : vector<16xf32> to vector<16xf32>
    %get3A_17 = arith.constant 80 : index
    %get3A_18 = tpu.vector_load %arg12[%get3A_17] {strides = array<i32>} : memref<128xf32, #tpu.memory_space<vmem>>, vector<16xf32>,
    %get3A_19 = vector.shape_cast %get3A_18 : vector<16xf32> to vector<16xf32>
    %get3A_20 = arith.constant 96 : index
    %get3A_21 = tpu.vector_load %arg12[%get3A_20] {strides = array<i32>} : memref<128xf32, #tpu.memory_space<vmem>>, vector<16xf32>,
    %get3A_22 = vector.shape_cast %get3A_21 : vector<16xf32> to vector<16xf32>
    %get3A_23 = arith.constant 112 : index
    %get3A_24 = tpu.vector_load %arg12[%get3A_23] {strides = array<i32>} : memref<128xf32, #tpu.memory_space<vmem>>, vector<16xf32>,
    %get3A_25 = vector.shape_cast %get3A_24 : vector<16xf32> to vector<16xf32>
    %scan3A = arith.constant 0 : i32
    %scan3A_26 = arith.constant 250 : i32
    %scan3A_27 = arith.addi %scan3A, %scan3A_26 : i32
    %scan3A_28 = arith.constant 1 : i32
    scf.for %scan3A_30 = %scan3A to %scan3A_27 step %scan3A_28  : i32 {
      %mul3A_31 = arith.constant 80 : i32
      %mul3A_32 = arith.muli %scan3A_30, %mul3A_31 : i32
      %add3A_33 = arith.addi %mul3A_2, %mul3A_32 : i32
      "tpu.region"() ({
        %run_scoped3A = tpu.sem_alloc : memref<!tpu.dma_semaphore, #tpu.memory_space<semaphore_mem>>
        %dma_start3A = tpu.memref_slice %arg4[%add3A_33] : memref<320000xi32, #tpu.memory_space<hbm>> -> memref<80xi32, #tpu.memory_space<hbm>>
        %dma_start3A_39 = tpu.memref_slice %arg4[%add3A_33] : memref<320000xi32, #tpu.memory_space<hbm>> -> memref<80xi32, #tpu.memory_space<hbm>>
        tpu.enqueue_dma source(%dma_start3A_39 : memref<80xi32, #tpu.memory_space<hbm>>) target(%arg8 : memref<80xi32, #tpu.memory_space<vmem>>) target_semaphore(%run_scoped3A : memref<!tpu.dma_semaphore, #tpu.memory_space<semaphore_mem>>)
        %dma_wait3A = tpu.memref_slice %arg4[%add3A_33] : memref<320000xi32, #tpu.memory_space<hbm>> -> memref<80xi32, #tpu.memory_space<hbm>>
        %dma_wait3A_40 = tpu.memref_slice %arg4[%add3A_33] : memref<320000xi32, #tpu.memory_space<hbm>> -> memref<80xi32, #tpu.memory_space<hbm>>
        tpu.wait_dma2 semaphore(%run_scoped3A : memref<!tpu.dma_semaphore, #tpu.memory_space<semaphore_mem>>) src(%dma_wait3A_40 : memref<80xi32, #tpu.memory_space<hbm>>) dst(%arg8 : memref<80xi32, #tpu.memory_space<vmem>>)
        tpu.yield
      }) : () -> ()
      "tpu.region"() ({
        %run_scoped3A = tpu.sem_alloc : memref<!tpu.dma_semaphore, #tpu.memory_space<semaphore_mem>>
        %dma_start3A = tpu.memref_slice %arg5[%add3A_33] : memref<320000xi32, #tpu.memory_space<hbm>> -> memref<80xi32, #tpu.memory_space<hbm>>
        %dma_start3A_39 = tpu.memref_slice %arg5[%add3A_33] : memref<320000xi32, #tpu.memory_space<hbm>> -> memref<80xi32, #tpu.memory_space<hbm>>
        tpu.enqueue_dma source(%dma_start3A_39 : memref<80xi32, #tpu.memory_space<hbm>>) target(%arg9 : memref<80xi32, #tpu.memory_space<vmem>>) target_semaphore(%run_scoped3A : memref<!tpu.dma_semaphore, #tpu.memory_space<semaphore_mem>>)
        %dma_wait3A = tpu.memref_slice %arg5[%add3A_33] : memref<320000xi32, #tpu.memory_space<hbm>> -> memref<80xi32, #tpu.memory_space<hbm>>
        %dma_wait3A_40 = tpu.memref_slice %arg5[%add3A_33] : memref<320000xi32, #tpu.memory_space<hbm>> -> memref<80xi32, #tpu.memory_space<hbm>>
        tpu.wait_dma2 semaphore(%run_scoped3A : memref<!tpu.dma_semaphore, #tpu.memory_space<semaphore_mem>>) src(%dma_wait3A_40 : memref<80xi32, #tpu.memory_space<hbm>>) dst(%arg9 : memref<80xi32, #tpu.memory_space<vmem>>)
        tpu.yield
      }) : () -> ()
      "tpu.region"() ({
        %run_scoped3A = tpu.sem_alloc : memref<!tpu.dma_semaphore, #tpu.memory_space<semaphore_mem>>
        %dma_start3A = arith.constant 0 : i32
        %dma_start3A_39 = arith.constant 0 : i32
        %dma_start3A_40 = tpu.memref_slice %arg2[%dma_start3A, %dma_start3A_39] : memref<10000x128xf32, #tpu.memory_space<hbm>> -> memref<10000x128xf32, #tpu.memory_space<hbm>>
        tpu.enqueue_indirect_dma source(%dma_start3A_40 : memref<10000x128xf32, #tpu.memory_space<hbm>>) target(%arg10 : memref<80x128xf32, #tpu.memory_space<vmem>>) offsets(%arg8 : memref<80xi32, #tpu.memory_space<vmem>>) semaphore(%run_scoped3A : memref<!tpu.dma_semaphore, #tpu.memory_space<semaphore_mem>>)
        %dma_wait3A = arith.constant 0 : i32
        %dma_wait3A_41 = arith.constant 0 : i32
        %dma_wait3A_42 = tpu.memref_slice %arg2[%dma_wait3A, %dma_wait3A_41] : memref<10000x128xf32, #tpu.memory_space<hbm>> -> memref<10000x128xf32, #tpu.memory_space<hbm>>
        tpu.wait_indirect_dma semaphore(%run_scoped3A : memref<!tpu.dma_semaphore, #tpu.memory_space<semaphore_mem>>) src(%dma_wait3A_42 : memref<10000x128xf32, #tpu.memory_space<hbm>>) dst(%arg10 : memref<80x128xf32, #tpu.memory_space<vmem>>)
        tpu.yield
      }) : () -> ()
      "tpu.region"() ({
        %run_scoped3A = tpu.sem_alloc : memref<!tpu.dma_semaphore, #tpu.memory_space<semaphore_mem>>
        %dma_start3A = arith.constant 0 : i32
        %dma_start3A_39 = arith.constant 0 : i32
        %dma_start3A_40 = tpu.memref_slice %arg3[%dma_start3A, %dma_start3A_39] : memref<10000x128xf32, #tpu.memory_space<hbm>> -> memref<10000x128xf32, #tpu.memory_space<hbm>>
        tpu.enqueue_indirect_dma source(%dma_start3A_40 : memref<10000x128xf32, #tpu.memory_space<hbm>>) target(%arg11 : memref<80x128xf32, #tpu.memory_space<vmem>>) offsets(%arg9 : memref<80xi32, #tpu.memory_space<vmem>>) semaphore(%run_scoped3A : memref<!tpu.dma_semaphore, #tpu.memory_space<semaphore_mem>>)
        %dma_wait3A = arith.constant 0 : i32
        %dma_wait3A_41 = arith.constant 0 : i32
        %dma_wait3A_42 = tpu.memref_slice %arg3[%dma_wait3A, %dma_wait3A_41] : memref<10000x128xf32, #tpu.memory_space<hbm>> -> memref<10000x128xf32, #tpu.memory_space<hbm>>
        tpu.wait_indirect_dma semaphore(%run_scoped3A : memref<!tpu.dma_semaphore, #tpu.memory_space<semaphore_mem>>) src(%dma_wait3A_42 : memref<10000x128xf32, #tpu.memory_space<hbm>>) dst(%arg11 : memref<80x128xf32, #tpu.memory_space<vmem>>)
        tpu.yield
      }) : () -> ()
      %scan3A_34 = arith.constant 0 : i32
      %scan3A_35 = arith.constant 80 : i32
      %scan3A_36 = arith.addi %scan3A_34, %scan3A_35 : i32
      %scan3A_37 = arith.constant 1 : i32
      scf.for %scan3A_39 = %scan3A_34 to %scan3A_36 step %scan3A_37  : i32 {
        %get3A_40 = arith.index_cast %scan3A_39 : i32 to index
        %get3A_41 = arith.constant 0 : index
        %get3A_42 = tpu.vector_load %arg10[%get3A_40, %get3A_41] {strides = array<i32>} : memref<80x128xf32, #tpu.memory_space<vmem>>, vector<1x16xf32>,
        %get3A_43 = vector.shape_cast %get3A_42 : vector<1x16xf32> to vector<16xf32>
        %get3A_44 = arith.index_cast %scan3A_39 : i32 to index
        %get3A_45 = arith.constant 0 : index
        %get3A_46 = tpu.vector_load %arg11[%get3A_44, %get3A_45] {strides = array<i32>} : memref<80x128xf32, #tpu.memory_space<vmem>>, vector<1x16xf32>,
        %get3A_47 = vector.shape_cast %get3A_46 : vector<1x16xf32> to vector<16xf32>
        %add3A_48 = arith.addf %get3A_43, %get3A_47 : vector<16xf32>
        %max3A = arith.constant 0.000000e+00 : f32
        %max3A_49 = vector.broadcast %max3A : f32 to vector<16xf32>
        %max3A_50 = arith.maximumf %add3A_48, %max3A_49 : vector<16xf32>
        %min3A = arith.constant 0.000000e+00 : f32
        %min3A_51 = vector.broadcast %min3A : f32 to vector<16xf32>
        %min3A_52 = arith.minimumf %add3A_48, %min3A_51 : vector<16xf32>
        %mul3A_53 = arith.constant 2.000000e-01 : f32
        %mul3A_54 = vector.broadcast %mul3A_53 : f32 to vector<16xf32>
        %mul3A_55 = arith.mulf %mul3A_54, %min3A_52 : vector<16xf32>
        %add3A_56 = arith.addf %max3A_50, %mul3A_55 : vector<16xf32>
        %mul3A_57 = arith.mulf %add3A_56, %get3A_4 : vector<16xf32>
        %swap3A = arith.index_cast %scan3A_39 : i32 to index
        %swap3A_58 = arith.constant 0 : index
        %swap3A_59 = tpu.vector_load %arg10[%swap3A, %swap3A_58] {strides = array<i32>} : memref<80x128xf32, #tpu.memory_space<vmem>>, vector<1x16xf32>,
        %swap3A_60 = vector.shape_cast %swap3A_59 : vector<1x16xf32> to vector<16xf32>
        %swap3A_61 = vector.shape_cast %mul3A_57 : vector<16xf32> to vector<1x16xf32>
        tpu.vector_store %arg10[%swap3A, %swap3A_58], %swap3A_61 {strides = array<i32>} : memref<80x128xf32, #tpu.memory_space<vmem>>, vector<1x16xf32>,
        %get3A_62 = arith.index_cast %scan3A_39 : i32 to index
        %get3A_63 = arith.constant 16 : index
        %get3A_64 = tpu.vector_load %arg10[%get3A_62, %get3A_63] {strides = array<i32>} : memref<80x128xf32, #tpu.memory_space<vmem>>, vector<1x16xf32>,
        %get3A_65 = vector.shape_cast %get3A_64 : vector<1x16xf32> to vector<16xf32>
        %get3A_66 = arith.index_cast %scan3A_39 : i32 to index
        %get3A_67 = arith.constant 16 : index
        %get3A_68 = tpu.vector_load %arg11[%get3A_66, %get3A_67] {strides = array<i32>} : memref<80x128xf32, #tpu.memory_space<vmem>>, vector<1x16xf32>,
        %get3A_69 = vector.shape_cast %get3A_68 : vector<1x16xf32> to vector<16xf32>
        %add3A_70 = arith.addf %get3A_65, %get3A_69 : vector<16xf32>
        %max3A_71 = arith.constant 0.000000e+00 : f32
        %max3A_72 = vector.broadcast %max3A_71 : f32 to vector<16xf32>
        %max3A_73 = arith.maximumf %add3A_70, %max3A_72 : vector<16xf32>
        %min3A_74 = arith.constant 0.000000e+00 : f32
        %min3A_75 = vector.broadcast %min3A_74 : f32 to vector<16xf32>
        %min3A_76 = arith.minimumf %add3A_70, %min3A_75 : vector<16xf32>
        %mul3A_77 = arith.constant 2.000000e-01 : f32
        %mul3A_78 = vector.broadcast %mul3A_77 : f32 to vector<16xf32>
        %mul3A_79 = arith.mulf %mul3A_78, %min3A_76 : vector<16xf32>
        %add3A_80 = arith.addf %max3A_73, %mul3A_79 : vector<16xf32>
        %mul3A_81 = arith.mulf %add3A_80, %get3A_7 : vector<16xf32>
        %swap3A_82 = arith.index_cast %scan3A_39 : i32 to index
        %swap3A_83 = arith.constant 16 : index
        %swap3A_84 = tpu.vector_load %arg10[%swap3A_82, %swap3A_83] {strides = array<i32>} : memref<80x128xf32, #tpu.memory_space<vmem>>, vector<1x16xf32>,
        %swap3A_85 = vector.shape_cast %swap3A_84 : vector<1x16xf32> to vector<16xf32>
        %swap3A_86 = vector.shape_cast %mul3A_81 : vector<16xf32> to vector<1x16xf32>
        tpu.vector_store %arg10[%swap3A_82, %swap3A_83], %swap3A_86 {strides = array<i32>} : memref<80x128xf32, #tpu.memory_space<vmem>>, vector<1x16xf32>,
        %get3A_87 = arith.index_cast %scan3A_39 : i32 to index
        %get3A_88 = arith.constant 32 : index
        %get3A_89 = tpu.vector_load %arg10[%get3A_87, %get3A_88] {strides = array<i32>} : memref<80x128xf32, #tpu.memory_space<vmem>>, vector<1x16xf32>,
        %get3A_90 = vector.shape_cast %get3A_89 : vector<1x16xf32> to vector<16xf32>
        %get3A_91 = arith.index_cast %scan3A_39 : i32 to index
        %get3A_92 = arith.constant 32 : index
        %get3A_93 = tpu.vector_load %arg11[%get3A_91, %get3A_92] {strides = array<i32>} : memref<80x128xf32, #tpu.memory_space<vmem>>, vector<1x16xf32>,
        %get3A_94 = vector.shape_cast %get3A_93 : vector<1x16xf32> to vector<16xf32>
        %add3A_95 = arith.addf %get3A_90, %get3A_94 : vector<16xf32>
        %max3A_96 = arith.constant 0.000000e+00 : f32
        %max3A_97 = vector.broadcast %max3A_96 : f32 to vector<16xf32>
        %max3A_98 = arith.maximumf %add3A_95, %max3A_97 : vector<16xf32>
        %min3A_99 = arith.constant 0.000000e+00 : f32
        %min3A_100 = vector.broadcast %min3A_99 : f32 to vector<16xf32>
        %min3A_101 = arith.minimumf %add3A_95, %min3A_100 : vector<16xf32>
        %mul3A_102 = arith.constant 2.000000e-01 : f32
        %mul3A_103 = vector.broadcast %mul3A_102 : f32 to vector<16xf32>
        %mul3A_104 = arith.mulf %mul3A_103, %min3A_101 : vector<16xf32>
        %add3A_105 = arith.addf %max3A_98, %mul3A_104 : vector<16xf32>
        %mul3A_106 = arith.mulf %add3A_105, %get3A_10 : vector<16xf32>
        %swap3A_107 = arith.index_cast %scan3A_39 : i32 to index
        %swap3A_108 = arith.constant 32 : index
        %swap3A_109 = tpu.vector_load %arg10[%swap3A_107, %swap3A_108] {strides = array<i32>} : memref<80x128xf32, #tpu.memory_space<vmem>>, vector<1x16xf32>,
        %swap3A_110 = vector.shape_cast %swap3A_109 : vector<1x16xf32> to vector<16xf32>
        %swap3A_111 = vector.shape_cast %mul3A_106 : vector<16xf32> to vector<1x16xf32>
        tpu.vector_store %arg10[%swap3A_107, %swap3A_108], %swap3A_111 {strides = array<i32>} : memref<80x128xf32, #tpu.memory_space<vmem>>, vector<1x16xf32>,
        %get3A_112 = arith.index_cast %scan3A_39 : i32 to index
        %get3A_113 = arith.constant 48 : index
        %get3A_114 = tpu.vector_load %arg10[%get3A_112, %get3A_113] {strides = array<i32>} : memref<80x128xf32, #tpu.memory_space<vmem>>, vector<1x16xf32>,
        %get3A_115 = vector.shape_cast %get3A_114 : vector<1x16xf32> to vector<16xf32>
        %get3A_116 = arith.index_cast %scan3A_39 : i32 to index
        %get3A_117 = arith.constant 48 : index
        %get3A_118 = tpu.vector_load %arg11[%get3A_116, %get3A_117] {strides = array<i32>} : memref<80x128xf32, #tpu.memory_space<vmem>>, vector<1x16xf32>,
        %get3A_119 = vector.shape_cast %get3A_118 : vector<1x16xf32> to vector<16xf32>
        %add3A_120 = arith.addf %get3A_115, %get3A_119 : vector<16xf32>
        %max3A_121 = arith.constant 0.000000e+00 : f32
        %max3A_122 = vector.broadcast %max3A_121 : f32 to vector<16xf32>
        %max3A_123 = arith.maximumf %add3A_120, %max3A_122 : vector<16xf32>
        %min3A_124 = arith.constant 0.000000e+00 : f32
        %min3A_125 = vector.broadcast %min3A_124 : f32 to vector<16xf32>
        %min3A_126 = arith.minimumf %add3A_120, %min3A_125 : vector<16xf32>
        %mul3A_127 = arith.constant 2.000000e-01 : f32
        %mul3A_128 = vector.broadcast %mul3A_127 : f32 to vector<16xf32>
        %mul3A_129 = arith.mulf %mul3A_128, %min3A_126 : vector<16xf32>
        %add3A_130 = arith.addf %max3A_123, %mul3A_129 : vector<16xf32>
        %mul3A_131 = arith.mulf %add3A_130, %get3A_13 : vector<16xf32>
        %swap3A_132 = arith.index_cast %scan3A_39 : i32 to index
        %swap3A_133 = arith.constant 48 : index
        %swap3A_134 = tpu.vector_load %arg10[%swap3A_132, %swap3A_133] {strides = array<i32>} : memref<80x128xf32, #tpu.memory_space<vmem>>, vector<1x16xf32>,
        %swap3A_135 = vector.shape_cast %swap3A_134 : vector<1x16xf32> to vector<16xf32>
        %swap3A_136 = vector.shape_cast %mul3A_131 : vector<16xf32> to vector<1x16xf32>
        tpu.vector_store %arg10[%swap3A_132, %swap3A_133], %swap3A_136 {strides = array<i32>} : memref<80x128xf32, #tpu.memory_space<vmem>>, vector<1x16xf32>,
        %get3A_137 = arith.index_cast %scan3A_39 : i32 to index
        %get3A_138 = arith.constant 64 : index
        %get3A_139 = tpu.vector_load %arg10[%get3A_137, %get3A_138] {strides = array<i32>} : memref<80x128xf32, #tpu.memory_space<vmem>>, vector<1x16xf32>,
        %get3A_140 = vector.shape_cast %get3A_139 : vector<1x16xf32> to vector<16xf32>
        %get3A_141 = arith.index_cast %scan3A_39 : i32 to index
        %get3A_142 = arith.constant 64 : index
        %get3A_143 = tpu.vector_load %arg11[%get3A_141, %get3A_142] {strides = array<i32>} : memref<80x128xf32, #tpu.memory_space<vmem>>, vector<1x16xf32>,
        %get3A_144 = vector.shape_cast %get3A_143 : vector<1x16xf32> to vector<16xf32>
        %add3A_145 = arith.addf %get3A_140, %get3A_144 : vector<16xf32>
        %max3A_146 = arith.constant 0.000000e+00 : f32
        %max3A_147 = vector.broadcast %max3A_146 : f32 to vector<16xf32>
        %max3A_148 = arith.maximumf %add3A_145, %max3A_147 : vector<16xf32>
        %min3A_149 = arith.constant 0.000000e+00 : f32
        %min3A_150 = vector.broadcast %min3A_149 : f32 to vector<16xf32>
        %min3A_151 = arith.minimumf %add3A_145, %min3A_150 : vector<16xf32>
        %mul3A_152 = arith.constant 2.000000e-01 : f32
        %mul3A_153 = vector.broadcast %mul3A_152 : f32 to vector<16xf32>
        %mul3A_154 = arith.mulf %mul3A_153, %min3A_151 : vector<16xf32>
        %add3A_155 = arith.addf %max3A_148, %mul3A_154 : vector<16xf32>
        %mul3A_156 = arith.mulf %add3A_155, %get3A_16 : vector<16xf32>
        %swap3A_157 = arith.index_cast %scan3A_39 : i32 to index
        %swap3A_158 = arith.constant 64 : index
        %swap3A_159 = tpu.vector_load %arg10[%swap3A_157, %swap3A_158] {strides = array<i32>} : memref<80x128xf32, #tpu.memory_space<vmem>>, vector<1x16xf32>,
        %swap3A_160 = vector.shape_cast %swap3A_159 : vector<1x16xf32> to vector<16xf32>
        %swap3A_161 = vector.shape_cast %mul3A_156 : vector<16xf32> to vector<1x16xf32>
        tpu.vector_store %arg10[%swap3A_157, %swap3A_158], %swap3A_161 {strides = array<i32>} : memref<80x128xf32, #tpu.memory_space<vmem>>, vector<1x16xf32>,
        %get3A_162 = arith.index_cast %scan3A_39 : i32 to index
        %get3A_163 = arith.constant 80 : index
        %get3A_164 = tpu.vector_load %arg10[%get3A_162, %get3A_163] {strides = array<i32>} : memref<80x128xf32, #tpu.memory_space<vmem>>, vector<1x16xf32>,
        %get3A_165 = vector.shape_cast %get3A_164 : vector<1x16xf32> to vector<16xf32>
        %get3A_166 = arith.index_cast %scan3A_39 : i32 to index
        %get3A_167 = arith.constant 80 : index
        %get3A_168 = tpu.vector_load %arg11[%get3A_166, %get3A_167] {strides = array<i32>} : memref<80x128xf32, #tpu.memory_space<vmem>>, vector<1x16xf32>,
        %get3A_169 = vector.shape_cast %get3A_168 : vector<1x16xf32> to vector<16xf32>
        %add3A_170 = arith.addf %get3A_165, %get3A_169 : vector<16xf32>
        %max3A_171 = arith.constant 0.000000e+00 : f32
        %max3A_172 = vector.broadcast %max3A_171 : f32 to vector<16xf32>
        %max3A_173 = arith.maximumf %add3A_170, %max3A_172 : vector<16xf32>
        %min3A_174 = arith.constant 0.000000e+00 : f32
        %min3A_175 = vector.broadcast %min3A_174 : f32 to vector<16xf32>
        %min3A_176 = arith.minimumf %add3A_170, %min3A_175 : vector<16xf32>
        %mul3A_177 = arith.constant 2.000000e-01 : f32
        %mul3A_178 = vector.broadcast %mul3A_177 : f32 to vector<16xf32>
        %mul3A_179 = arith.mulf %mul3A_178, %min3A_176 : vector<16xf32>
        %add3A_180 = arith.addf %max3A_173, %mul3A_179 : vector<16xf32>
        %mul3A_181 = arith.mulf %add3A_180, %get3A_19 : vector<16xf32>
        %swap3A_182 = arith.index_cast %scan3A_39 : i32 to index
        %swap3A_183 = arith.constant 80 : index
        %swap3A_184 = tpu.vector_load %arg10[%swap3A_182, %swap3A_183] {strides = array<i32>} : memref<80x128xf32, #tpu.memory_space<vmem>>, vector<1x16xf32>,
        %swap3A_185 = vector.shape_cast %swap3A_184 : vector<1x16xf32> to vector<16xf32>
        %swap3A_186 = vector.shape_cast %mul3A_181 : vector<16xf32> to vector<1x16xf32>
        tpu.vector_store %arg10[%swap3A_182, %swap3A_183], %swap3A_186 {strides = array<i32>} : memref<80x128xf32, #tpu.memory_space<vmem>>, vector<1x16xf32>,
        %get3A_187 = arith.index_cast %scan3A_39 : i32 to index
        %get3A_188 = arith.constant 96 : index
        %get3A_189 = tpu.vector_load %arg10[%get3A_187, %get3A_188] {strides = array<i32>} : memref<80x128xf32, #tpu.memory_space<vmem>>, vector<1x16xf32>,
        %get3A_190 = vector.shape_cast %get3A_189 : vector<1x16xf32> to vector<16xf32>
        %get3A_191 = arith.index_cast %scan3A_39 : i32 to index
        %get3A_192 = arith.constant 96 : index
        %get3A_193 = tpu.vector_load %arg11[%get3A_191, %get3A_192] {strides = array<i32>} : memref<80x128xf32, #tpu.memory_space<vmem>>, vector<1x16xf32>,
        %get3A_194 = vector.shape_cast %get3A_193 : vector<1x16xf32> to vector<16xf32>
        %add3A_195 = arith.addf %get3A_190, %get3A_194 : vector<16xf32>
        %max3A_196 = arith.constant 0.000000e+00 : f32
        %max3A_197 = vector.broadcast %max3A_196 : f32 to vector<16xf32>
        %max3A_198 = arith.maximumf %add3A_195, %max3A_197 : vector<16xf32>
        %min3A_199 = arith.constant 0.000000e+00 : f32
        %min3A_200 = vector.broadcast %min3A_199 : f32 to vector<16xf32>
        %min3A_201 = arith.minimumf %add3A_195, %min3A_200 : vector<16xf32>
        %mul3A_202 = arith.constant 2.000000e-01 : f32
        %mul3A_203 = vector.broadcast %mul3A_202 : f32 to vector<16xf32>
        %mul3A_204 = arith.mulf %mul3A_203, %min3A_201 : vector<16xf32>
        %add3A_205 = arith.addf %max3A_198, %mul3A_204 : vector<16xf32>
        %mul3A_206 = arith.mulf %add3A_205, %get3A_22 : vector<16xf32>
        %swap3A_207 = arith.index_cast %scan3A_39 : i32 to index
        %swap3A_208 = arith.constant 96 : index
        %swap3A_209 = tpu.vector_load %arg10[%swap3A_207, %swap3A_208] {strides = array<i32>} : memref<80x128xf32, #tpu.memory_space<vmem>>, vector<1x16xf32>,
        %swap3A_210 = vector.shape_cast %swap3A_209 : vector<1x16xf32> to vector<16xf32>
        %swap3A_211 = vector.shape_cast %mul3A_206 : vector<16xf32> to vector<1x16xf32>
        tpu.vector_store %arg10[%swap3A_207, %swap3A_208], %swap3A_211 {strides = array<i32>} : memref<80x128xf32, #tpu.memory_space<vmem>>, vector<1x16xf32>,
        %get3A_212 = arith.index_cast %scan3A_39 : i32 to index
        %get3A_213 = arith.constant 112 : index
        %get3A_214 = tpu.vector_load %arg10[%get3A_212, %get3A_213] {strides = array<i32>} : memref<80x128xf32, #tpu.memory_space<vmem>>, vector<1x16xf32>,
        %get3A_215 = vector.shape_cast %get3A_214 : vector<1x16xf32> to vector<16xf32>
        %get3A_216 = arith.index_cast %scan3A_39 : i32 to index
        %get3A_217 = arith.constant 112 : index
        %get3A_218 = tpu.vector_load %arg11[%get3A_216, %get3A_217] {strides = array<i32>} : memref<80x128xf32, #tpu.memory_space<vmem>>, vector<1x16xf32>,
        %get3A_219 = vector.shape_cast %get3A_218 : vector<1x16xf32> to vector<16xf32>
        %add3A_220 = arith.addf %get3A_215, %get3A_219 : vector<16xf32>
        %max3A_221 = arith.constant 0.000000e+00 : f32
        %max3A_222 = vector.broadcast %max3A_221 : f32 to vector<16xf32>
        %max3A_223 = arith.maximumf %add3A_220, %max3A_222 : vector<16xf32>
        %min3A_224 = arith.constant 0.000000e+00 : f32
        %min3A_225 = vector.broadcast %min3A_224 : f32 to vector<16xf32>
        %min3A_226 = arith.minimumf %add3A_220, %min3A_225 : vector<16xf32>
        %mul3A_227 = arith.constant 2.000000e-01 : f32
        %mul3A_228 = vector.broadcast %mul3A_227 : f32 to vector<16xf32>
        %mul3A_229 = arith.mulf %mul3A_228, %min3A_226 : vector<16xf32>
        %add3A_230 = arith.addf %max3A_223, %mul3A_229 : vector<16xf32>
        %mul3A_231 = arith.mulf %add3A_230, %get3A_25 : vector<16xf32>
        %swap3A_232 = arith.index_cast %scan3A_39 : i32 to index
        %swap3A_233 = arith.constant 112 : index
        %swap3A_234 = tpu.vector_load %arg10[%swap3A_232, %swap3A_233] {strides = array<i32>} : memref<80x128xf32, #tpu.memory_space<vmem>>, vector<1x16xf32>,
        %swap3A_235 = vector.shape_cast %swap3A_234 : vector<1x16xf32> to vector<16xf32>
        %swap3A_236 = vector.shape_cast %mul3A_231 : vector<16xf32> to vector<1x16xf32>
        tpu.vector_store %arg10[%swap3A_232, %swap3A_233], %swap3A_236 {strides = array<i32>} : memref<80x128xf32, #tpu.memory_space<vmem>>, vector<1x16xf32>,
      }
      %scan3A_38 = arith.constant 80 : i32
      "tpu.region"() ({
        %run_scoped3A = tpu.sem_alloc : memref<!tpu.dma_semaphore, #tpu.memory_space<semaphore_mem>>
        %dma_start3A = arith.constant 0 : i32
        %dma_start3A_39 = tpu.memref_slice %arg7[%add3A_33, %dma_start3A] : memref<320000x128xf32, #tpu.memory_space<hbm>> -> memref<80x128xf32, #tpu.memory_space<hbm>>
        %dma_start3A_40 = arith.constant 0 : i32
        %dma_start3A_41 = tpu.memref_slice %arg7[%add3A_33, %dma_start3A_40] : memref<320000x128xf32, #tpu.memory_space<hbm>> -> memref<80x128xf32, #tpu.memory_space<hbm>>
        tpu.enqueue_dma source(%arg10 : memref<80x128xf32, #tpu.memory_space<vmem>>) target(%dma_start3A_41 : memref<80x128xf32, #tpu.memory_space<hbm>>) target_semaphore(%run_scoped3A : memref<!tpu.dma_semaphore, #tpu.memory_space<semaphore_mem>>)
        %dma_wait3A = arith.constant 0 : i32
        %dma_wait3A_42 = tpu.memref_slice %arg7[%add3A_33, %dma_wait3A] : memref<320000x128xf32, #tpu.memory_space<hbm>> -> memref<80x128xf32, #tpu.memory_space<hbm>>
        %dma_wait3A_43 = arith.constant 0 : i32
        %dma_wait3A_44 = tpu.memref_slice %arg7[%add3A_33, %dma_wait3A_43] : memref<320000x128xf32, #tpu.memory_space<hbm>> -> memref<80x128xf32, #tpu.memory_space<hbm>>
        tpu.wait_dma2 semaphore(%run_scoped3A : memref<!tpu.dma_semaphore, #tpu.memory_space<semaphore_mem>>) src(%arg10 : memref<80x128xf32, #tpu.memory_space<vmem>>) dst(%dma_wait3A_44 : memref<80x128xf32, #tpu.memory_space<hbm>>)
        tpu.yield
      }) : () -> ()
    }
    %scan3A_29 = arith.constant 250 : i32
    return
  }
}

#map = affine_map<(d0, d1) -> (0, 0)>
#map1 = affine_map<(d0, d1) -> (0)>
module attributes {stable_mosaic.version = 14 : i64} {
  func.func @edge_scale(%arg0: i32, %arg1: i32, %arg2: memref<10000x128xf32, #tpu.memory_space<hbm>>, %arg3: memref<320000xi32, #tpu.memory_space<hbm>>, %arg4: memref<320000x16xf32, #tpu.memory_space<hbm>>, %arg5: memref<320000x128xf32, #tpu.memory_space<hbm>>, %arg6: memref<80xi32, #tpu.memory_space<vmem>>, %arg7: memref<80x128xf32, #tpu.memory_space<vmem>>, %arg8: memref<80x16xf32, #tpu.memory_space<vmem>>) attributes {dimension_semantics = [#tpu.dimension_semantics<core_parallel>, #tpu.dimension_semantics<subcore_parallel>], iteration_bounds = array<i64: 1, 16>, scalar_prefetch = 0 : i64, scratch_operands = 3 : i64, tpu.core_type = #tpu.core_type<sc_vector_subcore>, window_params = [{transform_indices = #map}, {transform_indices = #map1}, {transform_indices = #map}, {transform_indices = #map}]} {
    %mul3A = arith.constant 16 : i32
    %mul3A_0 = arith.muli %arg0, %mul3A : i32
    %add3A = arith.addi %mul3A_0, %arg1 : i32
    %mul3A_1 = arith.constant 20000 : i32
    %mul3A_2 = arith.muli %add3A, %mul3A_1 : i32
    %scan3A = arith.constant 0 : i32
    %scan3A_3 = arith.constant 250 : i32
    %scan3A_4 = arith.addi %scan3A, %scan3A_3 : i32
    %scan3A_5 = arith.constant 1 : i32
    scf.for %scan3A_7 = %scan3A to %scan3A_4 step %scan3A_5  : i32 {
      %mul3A_8 = arith.constant 80 : i32
      %mul3A_9 = arith.muli %scan3A_7, %mul3A_8 : i32
      %add3A_10 = arith.addi %mul3A_2, %mul3A_9 : i32
      "tpu.region"() ({
        %run_scoped3A = tpu.sem_alloc : memref<!tpu.dma_semaphore, #tpu.memory_space<semaphore_mem>>
        %dma_start3A = tpu.memref_slice %arg3[%add3A_10] : memref<320000xi32, #tpu.memory_space<hbm>> -> memref<80xi32, #tpu.memory_space<hbm>>
        %dma_start3A_16 = tpu.memref_slice %arg3[%add3A_10] : memref<320000xi32, #tpu.memory_space<hbm>> -> memref<80xi32, #tpu.memory_space<hbm>>
        tpu.enqueue_dma source(%dma_start3A_16 : memref<80xi32, #tpu.memory_space<hbm>>) target(%arg6 : memref<80xi32, #tpu.memory_space<vmem>>) target_semaphore(%run_scoped3A : memref<!tpu.dma_semaphore, #tpu.memory_space<semaphore_mem>>)
        %dma_wait3A = tpu.memref_slice %arg3[%add3A_10] : memref<320000xi32, #tpu.memory_space<hbm>> -> memref<80xi32, #tpu.memory_space<hbm>>
        %dma_wait3A_17 = tpu.memref_slice %arg3[%add3A_10] : memref<320000xi32, #tpu.memory_space<hbm>> -> memref<80xi32, #tpu.memory_space<hbm>>
        tpu.wait_dma2 semaphore(%run_scoped3A : memref<!tpu.dma_semaphore, #tpu.memory_space<semaphore_mem>>) src(%dma_wait3A_17 : memref<80xi32, #tpu.memory_space<hbm>>) dst(%arg6 : memref<80xi32, #tpu.memory_space<vmem>>)
        tpu.yield
      }) : () -> ()
      "tpu.region"() ({
        %run_scoped3A = tpu.sem_alloc : memref<!tpu.dma_semaphore, #tpu.memory_space<semaphore_mem>>
        %dma_start3A = arith.constant 0 : i32
        %dma_start3A_16 = arith.constant 0 : i32
        %dma_start3A_17 = tpu.memref_slice %arg2[%dma_start3A, %dma_start3A_16] : memref<10000x128xf32, #tpu.memory_space<hbm>> -> memref<10000x128xf32, #tpu.memory_space<hbm>>
        tpu.enqueue_indirect_dma source(%dma_start3A_17 : memref<10000x128xf32, #tpu.memory_space<hbm>>) target(%arg7 : memref<80x128xf32, #tpu.memory_space<vmem>>) offsets(%arg6 : memref<80xi32, #tpu.memory_space<vmem>>) semaphore(%run_scoped3A : memref<!tpu.dma_semaphore, #tpu.memory_space<semaphore_mem>>)
        %dma_wait3A = arith.constant 0 : i32
        %dma_wait3A_18 = arith.constant 0 : i32
        %dma_wait3A_19 = tpu.memref_slice %arg2[%dma_wait3A, %dma_wait3A_18] : memref<10000x128xf32, #tpu.memory_space<hbm>> -> memref<10000x128xf32, #tpu.memory_space<hbm>>
        tpu.wait_indirect_dma semaphore(%run_scoped3A : memref<!tpu.dma_semaphore, #tpu.memory_space<semaphore_mem>>) src(%dma_wait3A_19 : memref<10000x128xf32, #tpu.memory_space<hbm>>) dst(%arg7 : memref<80x128xf32, #tpu.memory_space<vmem>>)
        tpu.yield
      }) : () -> ()
      "tpu.region"() ({
        %run_scoped3A = tpu.sem_alloc : memref<!tpu.dma_semaphore, #tpu.memory_space<semaphore_mem>>
        %dma_start3A = arith.constant 0 : i32
        %dma_start3A_16 = tpu.memref_slice %arg4[%add3A_10, %dma_start3A] : memref<320000x16xf32, #tpu.memory_space<hbm>> -> memref<80x16xf32, #tpu.memory_space<hbm>>
        %dma_start3A_17 = arith.constant 0 : i32
        %dma_start3A_18 = tpu.memref_slice %arg4[%add3A_10, %dma_start3A_17] : memref<320000x16xf32, #tpu.memory_space<hbm>> -> memref<80x16xf32, #tpu.memory_space<hbm>>
        tpu.enqueue_dma source(%dma_start3A_18 : memref<80x16xf32, #tpu.memory_space<hbm>>) target(%arg8 : memref<80x16xf32, #tpu.memory_space<vmem>>) target_semaphore(%run_scoped3A : memref<!tpu.dma_semaphore, #tpu.memory_space<semaphore_mem>>)
        %dma_wait3A = arith.constant 0 : i32
        %dma_wait3A_19 = tpu.memref_slice %arg4[%add3A_10, %dma_wait3A] : memref<320000x16xf32, #tpu.memory_space<hbm>> -> memref<80x16xf32, #tpu.memory_space<hbm>>
        %dma_wait3A_20 = arith.constant 0 : i32
        %dma_wait3A_21 = tpu.memref_slice %arg4[%add3A_10, %dma_wait3A_20] : memref<320000x16xf32, #tpu.memory_space<hbm>> -> memref<80x16xf32, #tpu.memory_space<hbm>>
        tpu.wait_dma2 semaphore(%run_scoped3A : memref<!tpu.dma_semaphore, #tpu.memory_space<semaphore_mem>>) src(%dma_wait3A_21 : memref<80x16xf32, #tpu.memory_space<hbm>>) dst(%arg8 : memref<80x16xf32, #tpu.memory_space<vmem>>)
        tpu.yield
      }) : () -> ()
      %scan3A_11 = arith.constant 0 : i32
      %scan3A_12 = arith.constant 80 : i32
      %scan3A_13 = arith.addi %scan3A_11, %scan3A_12 : i32
      %scan3A_14 = arith.constant 1 : i32
      scf.for %scan3A_16 = %scan3A_11 to %scan3A_13 step %scan3A_14  : i32 {
        %get3A = arith.index_cast %scan3A_16 : i32 to index
        %get3A_17 = arith.constant 0 : index
        %get3A_18 = tpu.vector_load %arg8[%get3A, %get3A_17] {strides = array<i32>} : memref<80x16xf32, #tpu.memory_space<vmem>>, vector<1x16xf32>,
        %get3A_19 = vector.shape_cast %get3A_18 : vector<1x16xf32> to vector<16xf32>
        %get3A_20 = arith.index_cast %scan3A_16 : i32 to index
        %get3A_21 = arith.constant 0 : index
        %get3A_22 = tpu.vector_load %arg7[%get3A_20, %get3A_21] {strides = array<i32>} : memref<80x128xf32, #tpu.memory_space<vmem>>, vector<1x16xf32>,
        %get3A_23 = vector.shape_cast %get3A_22 : vector<1x16xf32> to vector<16xf32>
        %mul3A_24 = arith.mulf %get3A_23, %get3A_19 : vector<16xf32>
        %swap3A = arith.index_cast %scan3A_16 : i32 to index
        %swap3A_25 = arith.constant 0 : index
        %swap3A_26 = tpu.vector_load %arg7[%swap3A, %swap3A_25] {strides = array<i32>} : memref<80x128xf32, #tpu.memory_space<vmem>>, vector<1x16xf32>,
        %swap3A_27 = vector.shape_cast %swap3A_26 : vector<1x16xf32> to vector<16xf32>
        %swap3A_28 = vector.shape_cast %mul3A_24 : vector<16xf32> to vector<1x16xf32>
        tpu.vector_store %arg7[%swap3A, %swap3A_25], %swap3A_28 {strides = array<i32>} : memref<80x128xf32, #tpu.memory_space<vmem>>, vector<1x16xf32>,
        %get3A_29 = arith.index_cast %scan3A_16 : i32 to index
        %get3A_30 = arith.constant 16 : index
        %get3A_31 = tpu.vector_load %arg7[%get3A_29, %get3A_30] {strides = array<i32>} : memref<80x128xf32, #tpu.memory_space<vmem>>, vector<1x16xf32>,
        %get3A_32 = vector.shape_cast %get3A_31 : vector<1x16xf32> to vector<16xf32>
        %mul3A_33 = arith.mulf %get3A_32, %get3A_19 : vector<16xf32>
        %swap3A_34 = arith.index_cast %scan3A_16 : i32 to index
        %swap3A_35 = arith.constant 16 : index
        %swap3A_36 = tpu.vector_load %arg7[%swap3A_34, %swap3A_35] {strides = array<i32>} : memref<80x128xf32, #tpu.memory_space<vmem>>, vector<1x16xf32>,
        %swap3A_37 = vector.shape_cast %swap3A_36 : vector<1x16xf32> to vector<16xf32>
        %swap3A_38 = vector.shape_cast %mul3A_33 : vector<16xf32> to vector<1x16xf32>
        tpu.vector_store %arg7[%swap3A_34, %swap3A_35], %swap3A_38 {strides = array<i32>} : memref<80x128xf32, #tpu.memory_space<vmem>>, vector<1x16xf32>,
        %get3A_39 = arith.index_cast %scan3A_16 : i32 to index
        %get3A_40 = arith.constant 32 : index
        %get3A_41 = tpu.vector_load %arg7[%get3A_39, %get3A_40] {strides = array<i32>} : memref<80x128xf32, #tpu.memory_space<vmem>>, vector<1x16xf32>,
        %get3A_42 = vector.shape_cast %get3A_41 : vector<1x16xf32> to vector<16xf32>
        %mul3A_43 = arith.mulf %get3A_42, %get3A_19 : vector<16xf32>
        %swap3A_44 = arith.index_cast %scan3A_16 : i32 to index
        %swap3A_45 = arith.constant 32 : index
        %swap3A_46 = tpu.vector_load %arg7[%swap3A_44, %swap3A_45] {strides = array<i32>} : memref<80x128xf32, #tpu.memory_space<vmem>>, vector<1x16xf32>,
        %swap3A_47 = vector.shape_cast %swap3A_46 : vector<1x16xf32> to vector<16xf32>
        %swap3A_48 = vector.shape_cast %mul3A_43 : vector<16xf32> to vector<1x16xf32>
        tpu.vector_store %arg7[%swap3A_44, %swap3A_45], %swap3A_48 {strides = array<i32>} : memref<80x128xf32, #tpu.memory_space<vmem>>, vector<1x16xf32>,
        %get3A_49 = arith.index_cast %scan3A_16 : i32 to index
        %get3A_50 = arith.constant 48 : index
        %get3A_51 = tpu.vector_load %arg7[%get3A_49, %get3A_50] {strides = array<i32>} : memref<80x128xf32, #tpu.memory_space<vmem>>, vector<1x16xf32>,
        %get3A_52 = vector.shape_cast %get3A_51 : vector<1x16xf32> to vector<16xf32>
        %mul3A_53 = arith.mulf %get3A_52, %get3A_19 : vector<16xf32>
        %swap3A_54 = arith.index_cast %scan3A_16 : i32 to index
        %swap3A_55 = arith.constant 48 : index
        %swap3A_56 = tpu.vector_load %arg7[%swap3A_54, %swap3A_55] {strides = array<i32>} : memref<80x128xf32, #tpu.memory_space<vmem>>, vector<1x16xf32>,
        %swap3A_57 = vector.shape_cast %swap3A_56 : vector<1x16xf32> to vector<16xf32>
        %swap3A_58 = vector.shape_cast %mul3A_53 : vector<16xf32> to vector<1x16xf32>
        tpu.vector_store %arg7[%swap3A_54, %swap3A_55], %swap3A_58 {strides = array<i32>} : memref<80x128xf32, #tpu.memory_space<vmem>>, vector<1x16xf32>,
        %get3A_59 = arith.index_cast %scan3A_16 : i32 to index
        %get3A_60 = arith.constant 64 : index
        %get3A_61 = tpu.vector_load %arg7[%get3A_59, %get3A_60] {strides = array<i32>} : memref<80x128xf32, #tpu.memory_space<vmem>>, vector<1x16xf32>,
        %get3A_62 = vector.shape_cast %get3A_61 : vector<1x16xf32> to vector<16xf32>
        %mul3A_63 = arith.mulf %get3A_62, %get3A_19 : vector<16xf32>
        %swap3A_64 = arith.index_cast %scan3A_16 : i32 to index
        %swap3A_65 = arith.constant 64 : index
        %swap3A_66 = tpu.vector_load %arg7[%swap3A_64, %swap3A_65] {strides = array<i32>} : memref<80x128xf32, #tpu.memory_space<vmem>>, vector<1x16xf32>,
        %swap3A_67 = vector.shape_cast %swap3A_66 : vector<1x16xf32> to vector<16xf32>
        %swap3A_68 = vector.shape_cast %mul3A_63 : vector<16xf32> to vector<1x16xf32>
        tpu.vector_store %arg7[%swap3A_64, %swap3A_65], %swap3A_68 {strides = array<i32>} : memref<80x128xf32, #tpu.memory_space<vmem>>, vector<1x16xf32>,
        %get3A_69 = arith.index_cast %scan3A_16 : i32 to index
        %get3A_70 = arith.constant 80 : index
        %get3A_71 = tpu.vector_load %arg7[%get3A_69, %get3A_70] {strides = array<i32>} : memref<80x128xf32, #tpu.memory_space<vmem>>, vector<1x16xf32>,
        %get3A_72 = vector.shape_cast %get3A_71 : vector<1x16xf32> to vector<16xf32>
        %mul3A_73 = arith.mulf %get3A_72, %get3A_19 : vector<16xf32>
        %swap3A_74 = arith.index_cast %scan3A_16 : i32 to index
        %swap3A_75 = arith.constant 80 : index
        %swap3A_76 = tpu.vector_load %arg7[%swap3A_74, %swap3A_75] {strides = array<i32>} : memref<80x128xf32, #tpu.memory_space<vmem>>, vector<1x16xf32>,
        %swap3A_77 = vector.shape_cast %swap3A_76 : vector<1x16xf32> to vector<16xf32>
        %swap3A_78 = vector.shape_cast %mul3A_73 : vector<16xf32> to vector<1x16xf32>
        tpu.vector_store %arg7[%swap3A_74, %swap3A_75], %swap3A_78 {strides = array<i32>} : memref<80x128xf32, #tpu.memory_space<vmem>>, vector<1x16xf32>,
        %get3A_79 = arith.index_cast %scan3A_16 : i32 to index
        %get3A_80 = arith.constant 96 : index
        %get3A_81 = tpu.vector_load %arg7[%get3A_79, %get3A_80] {strides = array<i32>} : memref<80x128xf32, #tpu.memory_space<vmem>>, vector<1x16xf32>,
        %get3A_82 = vector.shape_cast %get3A_81 : vector<1x16xf32> to vector<16xf32>
        %mul3A_83 = arith.mulf %get3A_82, %get3A_19 : vector<16xf32>
        %swap3A_84 = arith.index_cast %scan3A_16 : i32 to index
        %swap3A_85 = arith.constant 96 : index
        %swap3A_86 = tpu.vector_load %arg7[%swap3A_84, %swap3A_85] {strides = array<i32>} : memref<80x128xf32, #tpu.memory_space<vmem>>, vector<1x16xf32>,
        %swap3A_87 = vector.shape_cast %swap3A_86 : vector<1x16xf32> to vector<16xf32>
        %swap3A_88 = vector.shape_cast %mul3A_83 : vector<16xf32> to vector<1x16xf32>
        tpu.vector_store %arg7[%swap3A_84, %swap3A_85], %swap3A_88 {strides = array<i32>} : memref<80x128xf32, #tpu.memory_space<vmem>>, vector<1x16xf32>,
        %get3A_89 = arith.index_cast %scan3A_16 : i32 to index
        %get3A_90 = arith.constant 112 : index
        %get3A_91 = tpu.vector_load %arg7[%get3A_89, %get3A_90] {strides = array<i32>} : memref<80x128xf32, #tpu.memory_space<vmem>>, vector<1x16xf32>,
        %get3A_92 = vector.shape_cast %get3A_91 : vector<1x16xf32> to vector<16xf32>
        %mul3A_93 = arith.mulf %get3A_92, %get3A_19 : vector<16xf32>
        %swap3A_94 = arith.index_cast %scan3A_16 : i32 to index
        %swap3A_95 = arith.constant 112 : index
        %swap3A_96 = tpu.vector_load %arg7[%swap3A_94, %swap3A_95] {strides = array<i32>} : memref<80x128xf32, #tpu.memory_space<vmem>>, vector<1x16xf32>,
        %swap3A_97 = vector.shape_cast %swap3A_96 : vector<1x16xf32> to vector<16xf32>
        %swap3A_98 = vector.shape_cast %mul3A_93 : vector<16xf32> to vector<1x16xf32>
        tpu.vector_store %arg7[%swap3A_94, %swap3A_95], %swap3A_98 {strides = array<i32>} : memref<80x128xf32, #tpu.memory_space<vmem>>, vector<1x16xf32>,
      }
      %scan3A_15 = arith.constant 80 : i32
      "tpu.region"() ({
        %run_scoped3A = tpu.sem_alloc : memref<!tpu.dma_semaphore, #tpu.memory_space<semaphore_mem>>
        %dma_start3A = arith.constant 0 : i32
        %dma_start3A_16 = tpu.memref_slice %arg5[%add3A_10, %dma_start3A] : memref<320000x128xf32, #tpu.memory_space<hbm>> -> memref<80x128xf32, #tpu.memory_space<hbm>>
        %dma_start3A_17 = arith.constant 0 : i32
        %dma_start3A_18 = tpu.memref_slice %arg5[%add3A_10, %dma_start3A_17] : memref<320000x128xf32, #tpu.memory_space<hbm>> -> memref<80x128xf32, #tpu.memory_space<hbm>>
        tpu.enqueue_dma source(%arg7 : memref<80x128xf32, #tpu.memory_space<vmem>>) target(%dma_start3A_18 : memref<80x128xf32, #tpu.memory_space<hbm>>) target_semaphore(%run_scoped3A : memref<!tpu.dma_semaphore, #tpu.memory_space<semaphore_mem>>)
        %dma_wait3A = arith.constant 0 : i32
        %dma_wait3A_19 = tpu.memref_slice %arg5[%add3A_10, %dma_wait3A] : memref<320000x128xf32, #tpu.memory_space<hbm>> -> memref<80x128xf32, #tpu.memory_space<hbm>>
        %dma_wait3A_20 = arith.constant 0 : i32
        %dma_wait3A_21 = tpu.memref_slice %arg5[%add3A_10, %dma_wait3A_20] : memref<320000x128xf32, #tpu.memory_space<hbm>> -> memref<80x128xf32, #tpu.memory_space<hbm>>
        tpu.wait_dma2 semaphore(%run_scoped3A : memref<!tpu.dma_semaphore, #tpu.memory_space<semaphore_mem>>) src(%arg7 : memref<80x128xf32, #tpu.memory_space<vmem>>) dst(%dma_wait3A_21 : memref<80x128xf32, #tpu.memory_space<hbm>>)
        tpu.yield
      }) : () -> ()
    }
    %scan3A_6 = arith.constant 250 : i32
    return
  }
}

module attributes {stable_mosaic.version = 14 : i64} {
  func.func @_proj_body(%arg0: i32, %arg1: memref<1000x128xf32, #tpu.memory_space<vmem>>, %arg2: memref<128x64xf32, #tpu.memory_space<vmem>>, %arg3: memref<1x64xf32, #tpu.memory_space<vmem>>, %arg4: memref<64x128xf32, #tpu.memory_space<vmem>>, %arg5: memref<1x128xf32, #tpu.memory_space<vmem>>, %arg6: memref<128x128xf32, #tpu.memory_space<vmem>>, %arg7: memref<128x128xf32, #tpu.memory_space<vmem>>, %arg8: memref<1000x128xf32, #tpu.memory_space<vmem>>, %arg9: memref<1000x128xf32, #tpu.memory_space<vmem>>) attributes {dimension_semantics = [#tpu.dimension_semantics<arbitrary>], iteration_bounds = array<i64: 10>, scalar_prefetch = 0 : i64, scratch_operands = 0 : i64, tpu.core_type = #tpu.core_type<tc>, window_params = [{transform_indices = @transform_0, window_bounds = array<i64: 1000, 128>}, {pipeline_mode = #tpu.pipeline_mode<synchronous>, transform_indices = @transform_1, window_bounds = array<i64: 128, 64>}, {pipeline_mode = #tpu.pipeline_mode<synchronous>, transform_indices = @transform_2, window_bounds = array<i64: 1, 64>}, {pipeline_mode = #tpu.pipeline_mode<synchronous>, transform_indices = @transform_3, window_bounds = array<i64: 64, 128>}, {pipeline_mode = #tpu.pipeline_mode<synchronous>, transform_indices = @transform_4, window_bounds = array<i64: 1, 128>}, {pipeline_mode = #tpu.pipeline_mode<synchronous>, transform_indices = @transform_5, window_bounds = array<i64: 128, 128>}, {pipeline_mode = #tpu.pipeline_mode<synchronous>, transform_indices = @transform_6, window_bounds = array<i64: 128, 128>}, {transform_indices = @transform_7, window_bounds = array<i64: 1000, 128>}, {transform_indices = @transform_8, window_bounds = array<i64: 1000, 128>}]} {
    %get3A = arith.constant 0 : index
    %get3A_0 = arith.constant 0 : index
    %get3A_1 = vector.load %arg1[%get3A, %get3A_0] : memref<1000x128xf32, #tpu.memory_space<vmem>>, vector<1000x128xf32>
    %get3A_2 = arith.constant 0 : index
    %get3A_3 = arith.constant 0 : index
    %get3A_4 = vector.load %arg2[%get3A_2, %get3A_3] : memref<128x64xf32, #tpu.memory_space<vmem>>, vector<128x64xf32>
    %dot_general3A = arith.constant dense<0.000000e+00> : vector<1000x64xf32>
    %dot_general3A_5 = tpu.matmul %get3A_1, %get3A_4, %dot_general3A {dimension_numbers = #tpu.dot_dimension_numbers<[1], [0], [0], [1], [0, 0, 1, 1], [], []>, transpose_lhs_hint = false} : vector<1000x128xf32>, vector<128x64xf32>, vector<1000x64xf32> -> vector<1000x64xf32>
    %get3A_6 = arith.constant 0 : index
    %get3A_7 = arith.constant 0 : index
    %get3A_8 = vector.load %arg3[%get3A_6, %get3A_7] : memref<1x64xf32, #tpu.memory_space<vmem>>, vector<1x64xf32>
    %add3A = vector.broadcast %get3A_8 : vector<1x64xf32> to vector<1000x64xf32>
    %add3A_9 = arith.addf %dot_general3A_5, %add3A : vector<1000x64xf32>
    %max3A = arith.constant 0.000000e+00 : f32
    %max3A_10 = vector.broadcast %max3A : f32 to vector<1000x64xf32>
    %max3A_11 = arith.maximumf %add3A_9, %max3A_10 : vector<1000x64xf32>
    %get3A_12 = arith.constant 0 : index
    %get3A_13 = arith.constant 0 : index
    %get3A_14 = vector.load %arg4[%get3A_12, %get3A_13] : memref<64x128xf32, #tpu.memory_space<vmem>>, vector<64x128xf32>
    %dot_general3A_15 = arith.constant dense<0.000000e+00> : vector<1000x128xf32>
    %dot_general3A_16 = tpu.matmul %max3A_11, %get3A_14, %dot_general3A_15 {dimension_numbers = #tpu.dot_dimension_numbers<[1], [0], [0], [1], [0, 0, 1, 1], [], []>, transpose_lhs_hint = false} : vector<1000x64xf32>, vector<64x128xf32>, vector<1000x128xf32> -> vector<1000x128xf32>
    %get3A_17 = arith.constant 0 : index
    %get3A_18 = arith.constant 0 : index
    %get3A_19 = vector.load %arg5[%get3A_17, %get3A_18] : memref<1x128xf32, #tpu.memory_space<vmem>>, vector<1x128xf32>
    %add3A_20 = vector.broadcast %get3A_19 : vector<1x128xf32> to vector<1000x128xf32>
    %add3A_21 = arith.addf %dot_general3A_16, %add3A_20 : vector<1000x128xf32>
    %get3A_22 = arith.constant 0 : index
    %get3A_23 = arith.constant 0 : index
    %get3A_24 = vector.load %arg6[%get3A_22, %get3A_23] : memref<128x128xf32, #tpu.memory_space<vmem>>, vector<128x128xf32>
    %dot_general3A_25 = arith.constant dense<0.000000e+00> : vector<1000x128xf32>
    %dot_general3A_26 = tpu.matmul %add3A_21, %get3A_24, %dot_general3A_25 {dimension_numbers = #tpu.dot_dimension_numbers<[1], [0], [0], [1], [0, 0, 1, 1], [], []>, transpose_lhs_hint = false} : vector<1000x128xf32>, vector<128x128xf32>, vector<1000x128xf32> -> vector<1000x128xf32>
    %swap3A = arith.constant 0 : index
    %swap3A_27 = arith.constant 0 : index
    %swap3A_28 = vector.load %arg8[%swap3A, %swap3A_27] : memref<1000x128xf32, #tpu.memory_space<vmem>>, vector<1000x128xf32>
    tpu.vector_store %arg8[%swap3A, %swap3A_27], %dot_general3A_26 {strides = array<i32>} : memref<1000x128xf32, #tpu.memory_space<vmem>>, vector<1000x128xf32>,
    %get3A_29 = arith.constant 0 : index
    %get3A_30 = arith.constant 0 : index
    %get3A_31 = vector.load %arg7[%get3A_29, %get3A_30] : memref<128x128xf32, #tpu.memory_space<vmem>>, vector<128x128xf32>
    %dot_general3A_32 = arith.constant dense<0.000000e+00> : vector<1000x128xf32>
    %dot_general3A_33 = tpu.matmul %add3A_21, %get3A_31, %dot_general3A_32 {dimension_numbers = #tpu.dot_dimension_numbers<[1], [0], [0], [1], [0, 0, 1, 1], [], []>, transpose_lhs_hint = false} : vector<1000x128xf32>, vector<128x128xf32>, vector<1000x128xf32> -> vector<1000x128xf32>
    %swap3A_34 = arith.constant 0 : index
    %swap3A_35 = arith.constant 0 : index
    %swap3A_36 = vector.load %arg9[%swap3A_34, %swap3A_35] : memref<1000x128xf32, #tpu.memory_space<vmem>>, vector<1000x128xf32>
    tpu.vector_store %arg9[%swap3A_34, %swap3A_35], %dot_general3A_33 {strides = array<i32>} : memref<1000x128xf32, #tpu.memory_space<vmem>>, vector<1000x128xf32>,
    return
  }
  func.func @transform_0(%arg0: i32) -> (i32, i32) {
    %c0_i32 = arith.constant 0 : i32
    %c0_i32_0 = arith.constant 0 : i32
    return %arg0, %c0_i32 : i32, i32
  }
  func.func @transform_1(%arg0: i32) -> (i32, i32) {
    %c0_i32 = arith.constant 0 : i32
    %c0_i32_0 = arith.constant 0 : i32
    %c0_i32_1 = arith.constant 0 : i32
    return %c0_i32, %c0_i32_0 : i32, i32
  }
  func.func @transform_2(%arg0: i32) -> (i32, i32) {
    %c0_i32 = arith.constant 0 : i32
    %c0_i32_0 = arith.constant 0 : i32
    %c0_i32_1 = arith.constant 0 : i32
    return %c0_i32, %c0_i32_0 : i32, i32
  }
  func.func @transform_3(%arg0: i32) -> (i32, i32) {
    %c0_i32 = arith.constant 0 : i32
    %c0_i32_0 = arith.constant 0 : i32
    %c0_i32_1 = arith.constant 0 : i32
    return %c0_i32, %c0_i32_0 : i32, i32
  }
  func.func @transform_4(%arg0: i32) -> (i32, i32) {
    %c0_i32 = arith.constant 0 : i32
    %c0_i32_0 = arith.constant 0 : i32
    %c0_i32_1 = arith.constant 0 : i32
    return %c0_i32, %c0_i32_0 : i32, i32
  }
  func.func @transform_5(%arg0: i32) -> (i32, i32) {
    %c0_i32 = arith.constant 0 : i32
    %c0_i32_0 = arith.constant 0 : i32
    %c0_i32_1 = arith.constant 0 : i32
    return %c0_i32, %c0_i32_0 : i32, i32
  }
  func.func @transform_6(%arg0: i32) -> (i32, i32) {
    %c0_i32 = arith.constant 0 : i32
    %c0_i32_0 = arith.constant 0 : i32
    %c0_i32_1 = arith.constant 0 : i32
    return %c0_i32, %c0_i32_0 : i32, i32
  }
  func.func @transform_7(%arg0: i32) -> (i32, i32) {
    %c0_i32 = arith.constant 0 : i32
    %c0_i32_0 = arith.constant 0 : i32
    return %arg0, %c0_i32 : i32, i32
  }
  func.func @transform_8(%arg0: i32) -> (i32, i32) {
    %c0_i32 = arith.constant 0 : i32
    %c0_i32_0 = arith.constant 0 : i32
    return %arg0, %c0_i32 : i32, i32
  }
}

module attributes {stable_mosaic.version = 14 : i64} {
  func.func @_logit_body(%arg0: i32, %arg1: memref<4000x128xf32, #tpu.memory_space<vmem>>, %arg2: memref<4000x16xf32, #tpu.memory_space<vmem>>) attributes {dimension_semantics = [#tpu.dimension_semantics<arbitrary>], iteration_bounds = array<i64: 80>, scalar_prefetch = 0 : i64, scratch_operands = 0 : i64, tpu.core_type = #tpu.core_type<tc>, window_params = [{transform_indices = @transform_0, window_bounds = array<i64: 4000, 128>}, {transform_indices = @transform_1, window_bounds = array<i64: 4000, 16>}]} {
    %get3A = arith.constant 0 : index
    %get3A_0 = arith.constant 0 : index
    %get3A_1 = vector.load %arg1[%get3A, %get3A_0] : memref<4000x128xf32, #tpu.memory_space<vmem>>, vector<4000x128xf32>
    %reduce_sum3A = arith.constant dense<0.000000e+00> : vector<4000xf32>
    %reduce_sum3A_2 = vector.multi_reduction <add>, %get3A_1, %reduce_sum3A [1] : vector<4000x128xf32> to vector<4000xf32>
    %broadcast_in_dim3A = vector.shape_cast %reduce_sum3A_2 : vector<4000xf32> to vector<4000x1xf32>
    %exp3A = math.exp %broadcast_in_dim3A : vector<4000x1xf32>
    %broadcast_in_dim3A_3 = vector.shape_cast %exp3A : vector<4000x1xf32> to vector<4000x1xf32>
    %broadcast_in_dim3A_4 = vector.broadcast %broadcast_in_dim3A_3 : vector<4000x1xf32> to vector<4000x16xf32>
    %swap3A = arith.constant 0 : index
    %swap3A_5 = arith.constant 0 : index
    %swap3A_6 = vector.load %arg2[%swap3A, %swap3A_5] : memref<4000x16xf32, #tpu.memory_space<vmem>>, vector<4000x16xf32>
    tpu.vector_store %arg2[%swap3A, %swap3A_5], %broadcast_in_dim3A_4 {strides = array<i32>} : memref<4000x16xf32, #tpu.memory_space<vmem>>, vector<4000x16xf32>,
    return
  }
  func.func @transform_0(%arg0: i32) -> (i32, i32) {
    %c0_i32 = arith.constant 0 : i32
    %c0_i32_0 = arith.constant 0 : i32
    return %arg0, %c0_i32 : i32, i32
  }
  func.func @transform_1(%arg0: i32) -> (i32, i32) {
    %c0_i32 = arith.constant 0 : i32
    %c0_i32_0 = arith.constant 0 : i32
    return %arg0, %c0_i32 : i32, i32
  }
}

module attributes {stable_mosaic.version = 14 : i64} {
  func.func @_agg_body(%arg0: i32, %arg1: i32, %arg2: memref<1x1x1600xi32, #tpu.memory_space<vmem>>, %arg3: memref<1600x128xf32, #tpu.memory_space<vmem>>, %arg4: memref<1600x16xf32, #tpu.memory_space<vmem>>, %arg5: memref<1000x128xf32, #tpu.memory_space<vmem>>, %arg6: memref<1000x16xf32, #tpu.memory_space<vmem>>) attributes {dimension_semantics = [#tpu.dimension_semantics<arbitrary>, #tpu.dimension_semantics<arbitrary>], iteration_bounds = array<i64: 10, 200>, scalar_prefetch = 0 : i64, scratch_operands = 0 : i64, tpu.core_type = #tpu.core_type<tc>, window_params = [{transform_indices = @transform_0, window_bounds = array<i64: 1, 1, 1600>}, {transform_indices = @transform_1, window_bounds = array<i64: 1600, 128>}, {transform_indices = @transform_2, window_bounds = array<i64: 1600, 16>}, {transform_indices = @transform_3, window_bounds = array<i64: 1000, 128>}, {transform_indices = @transform_4, window_bounds = array<i64: 1000, 16>}]} {
    %eq3A = arith.constant 0 : i32
    %eq3A_0 = arith.cmpi eq, %arg1, %eq3A : i32
    %convert_element_type3A = arith.extui %eq3A_0 : i1 to i32
    %cond3A = arith.constant 0 : i32
    %cond3A_1 = arith.cmpi ne, %convert_element_type3A, %cond3A : i32
    scf.if %cond3A_1 {
      %broadcast_in_dim3A_35 = arith.constant 0.000000e+00 : f32
      %broadcast_in_dim3A_36 = vector.broadcast %broadcast_in_dim3A_35 : f32 to vector<1000x128xf32>
      %swap3A_37 = arith.constant 0 : index
      %swap3A_38 = arith.constant 0 : index
      %swap3A_39 = vector.load %arg5[%swap3A_37, %swap3A_38] : memref<1000x128xf32, #tpu.memory_space<vmem>>, vector<1000x128xf32>
      tpu.vector_store %arg5[%swap3A_37, %swap3A_38], %broadcast_in_dim3A_36 {strides = array<i32>} : memref<1000x128xf32, #tpu.memory_space<vmem>>, vector<1000x128xf32>,
      %broadcast_in_dim3A_40 = arith.constant 0.000000e+00 : f32
      %broadcast_in_dim3A_41 = vector.broadcast %broadcast_in_dim3A_40 : f32 to vector<1000x16xf32>
      %swap3A_42 = arith.constant 0 : index
      %swap3A_43 = arith.constant 0 : index
      %swap3A_44 = vector.load %arg6[%swap3A_42, %swap3A_43] : memref<1000x16xf32, #tpu.memory_space<vmem>>, vector<1000x16xf32>
      tpu.vector_store %arg6[%swap3A_42, %swap3A_43], %broadcast_in_dim3A_41 {strides = array<i32>} : memref<1000x16xf32, #tpu.memory_space<vmem>>, vector<1000x16xf32>,
    } else {
    }
    %mul3A = arith.constant 1000 : i32
    %mul3A_2 = arith.muli %arg0, %mul3A : i32
    %get3A = arith.constant 0 : index
    %get3A_3 = arith.constant 0 : index
    %get3A_4 = arith.constant 0 : index
    %get3A_5 = vector.load %arg2[%get3A, %get3A_3, %get3A_4] : memref<1x1x1600xi32, #tpu.memory_space<vmem>>, vector<1x1x1600xi32>
    %get3A_6 = vector.shape_cast %get3A_5 : vector<1x1x1600xi32> to vector<1600xi32>
    %iota3A = tpu.iota {dimensions = array<i32: 1>} : vector<1x1000xi32>
    %add3A = vector.broadcast %mul3A_2 : i32 to vector<1x1000xi32>
    %add3A_7 = arith.addi %add3A, %iota3A : vector<1x1000xi32>
    %broadcast_in_dim3A = vector.shape_cast %get3A_6 : vector<1600xi32> to vector<1600x1xi32>
    %eq3A_8 = vector.broadcast %broadcast_in_dim3A : vector<1600x1xi32> to vector<1600x1000xi32>
    %eq3A_9 = vector.broadcast %add3A_7 : vector<1x1000xi32> to vector<1600x1000xi32>
    %eq3A_10 = arith.cmpi eq, %eq3A_8, %eq3A_9 : vector<1600x1000xi32>
    %convert_element_type3A_11 = arith.extui %eq3A_10 : vector<1600x1000xi1> to vector<1600x1000xi32>
    %convert_element_type3A_12 = arith.sitofp %convert_element_type3A_11 : vector<1600x1000xi32> to vector<1600x1000xf32>
    %get3A_13 = arith.constant 0 : index
    %get3A_14 = arith.constant 0 : index
    %get3A_15 = vector.load %arg5[%get3A_13, %get3A_14] : memref<1000x128xf32, #tpu.memory_space<vmem>>, vector<1000x128xf32>
    %get3A_16 = arith.constant 0 : index
    %get3A_17 = arith.constant 0 : index
    %get3A_18 = vector.load %arg3[%get3A_16, %get3A_17] : memref<1600x128xf32, #tpu.memory_space<vmem>>, vector<1600x128xf32>
    %dot_general3A = arith.constant dense<0.000000e+00> : vector<1000x128xf32>
    %dot_general3A_19 = tpu.matmul %convert_element_type3A_12, %get3A_18, %dot_general3A {dimension_numbers = #tpu.dot_dimension_numbers<[0], [0], [1], [1], [0, 1, 1, 1], [], []>, transpose_lhs_hint = false} : vector<1600x1000xf32>, vector<1600x128xf32>, vector<1000x128xf32> -> vector<1000x128xf32>
    %add3A_20 = arith.addf %get3A_15, %dot_general3A_19 : vector<1000x128xf32>
    %swap3A = arith.constant 0 : index
    %swap3A_21 = arith.constant 0 : index
    %swap3A_22 = vector.load %arg5[%swap3A, %swap3A_21] : memref<1000x128xf32, #tpu.memory_space<vmem>>, vector<1000x128xf32>
    tpu.vector_store %arg5[%swap3A, %swap3A_21], %add3A_20 {strides = array<i32>} : memref<1000x128xf32, #tpu.memory_space<vmem>>, vector<1000x128xf32>,
    %get3A_23 = arith.constant 0 : index
    %get3A_24 = arith.constant 0 : index
    %get3A_25 = vector.load %arg6[%get3A_23, %get3A_24] : memref<1000x16xf32, #tpu.memory_space<vmem>>, vector<1000x16xf32>
    %get3A_26 = arith.constant 0 : index
    %get3A_27 = arith.constant 0 : index
    %get3A_28 = vector.load %arg4[%get3A_26, %get3A_27] : memref<1600x16xf32, #tpu.memory_space<vmem>>, vector<1600x16xf32>
    %dot_general3A_29 = arith.constant dense<0.000000e+00> : vector<1000x16xf32>
    %dot_general3A_30 = tpu.matmul %convert_element_type3A_12, %get3A_28, %dot_general3A_29 {dimension_numbers = #tpu.dot_dimension_numbers<[0], [0], [1], [1], [0, 1, 1, 1], [], []>, transpose_lhs_hint = false} : vector<1600x1000xf32>, vector<1600x16xf32>, vector<1000x16xf32> -> vector<1000x16xf32>
    %add3A_31 = arith.addf %get3A_25, %dot_general3A_30 : vector<1000x16xf32>
    %swap3A_32 = arith.constant 0 : index
    %swap3A_33 = arith.constant 0 : index
    %swap3A_34 = vector.load %arg6[%swap3A_32, %swap3A_33] : memref<1000x16xf32, #tpu.memory_space<vmem>>, vector<1000x16xf32>
    tpu.vector_store %arg6[%swap3A_32, %swap3A_33], %add3A_31 {strides = array<i32>} : memref<1000x16xf32, #tpu.memory_space<vmem>>, vector<1000x16xf32>,
    return
  }
  func.func @transform_0(%arg0: i32, %arg1: i32) -> (i32, i32, i32) {
    %c0_i32 = arith.constant 0 : i32
    %c0_i32_0 = arith.constant 0 : i32
    %c0_i32_1 = arith.constant 0 : i32
    return %arg1, %c0_i32, %c0_i32_0 : i32, i32, i32
  }
  func.func @transform_1(%arg0: i32, %arg1: i32) -> (i32, i32) {
    %c0_i32 = arith.constant 0 : i32
    %c0_i32_0 = arith.constant 0 : i32
    return %arg1, %c0_i32 : i32, i32
  }
  func.func @transform_2(%arg0: i32, %arg1: i32) -> (i32, i32) {
    %c0_i32 = arith.constant 0 : i32
    %c0_i32_0 = arith.constant 0 : i32
    return %arg1, %c0_i32 : i32, i32
  }
  func.func @transform_3(%arg0: i32, %arg1: i32) -> (i32, i32) {
    %c0_i32 = arith.constant 0 : i32
    %c0_i32_0 = arith.constant 0 : i32
    return %arg0, %c0_i32 : i32, i32
  }
  func.func @transform_4(%arg0: i32, %arg1: i32) -> (i32, i32) {
    %c0_i32 = arith.constant 0 : i32
    %c0_i32_0 = arith.constant 0 : i32
    return %arg0, %c0_i32 : i32, i32
  }
}

module attributes {stable_mosaic.version = 14 : i64} {
  func.func @_combine_body(%arg0: i32, %arg1: memref<1000x128xf32, #tpu.memory_space<vmem>>, %arg2: memref<1000x16xf32, #tpu.memory_space<vmem>>, %arg3: memref<1x128xf32, #tpu.memory_space<vmem>>, %arg4: memref<1000x128xf32, #tpu.memory_space<vmem>>) attributes {dimension_semantics = [#tpu.dimension_semantics<arbitrary>], iteration_bounds = array<i64: 10>, scalar_prefetch = 0 : i64, scratch_operands = 0 : i64, tpu.core_type = #tpu.core_type<tc>, window_params = [{transform_indices = @transform_0, window_bounds = array<i64: 1000, 128>}, {transform_indices = @transform_1, window_bounds = array<i64: 1000, 16>}, {pipeline_mode = #tpu.pipeline_mode<synchronous>, transform_indices = @transform_2, window_bounds = array<i64: 1, 128>}, {transform_indices = @transform_3, window_bounds = array<i64: 1000, 128>}]} {
    %get3A = arith.constant 0 : index
    %get3A_0 = arith.constant 0 : index
    %get3A_1 = vector.load %arg2[%get3A, %get3A_0] : memref<1000x16xf32, #tpu.memory_space<vmem>>, vector<1000x1xf32>
    %get3A_2 = arith.constant 0 : index
    %get3A_3 = arith.constant 0 : index
    %get3A_4 = vector.load %arg1[%get3A_2, %get3A_3] : memref<1000x128xf32, #tpu.memory_space<vmem>>, vector<1000x128xf32>
    %add3A = arith.constant 1.000000e-16 : f32
    %add3A_5 = vector.broadcast %add3A : f32 to vector<1000x1xf32>
    %add3A_6 = arith.addf %get3A_1, %add3A_5 : vector<1000x1xf32>
    %div3A = vector.broadcast %add3A_6 : vector<1000x1xf32> to vector<1000x128xf32>
    %div3A_7 = arith.divf %get3A_4, %div3A : vector<1000x128xf32>
    %get3A_8 = arith.constant 0 : index
    %get3A_9 = arith.constant 0 : index
    %get3A_10 = vector.load %arg3[%get3A_8, %get3A_9] : memref<1x128xf32, #tpu.memory_space<vmem>>, vector<1x128xf32>
    %add3A_11 = vector.broadcast %get3A_10 : vector<1x128xf32> to vector<1000x128xf32>
    %add3A_12 = arith.addf %div3A_7, %add3A_11 : vector<1000x128xf32>
    %swap3A = arith.constant 0 : index
    %swap3A_13 = arith.constant 0 : index
    %swap3A_14 = vector.load %arg4[%swap3A, %swap3A_13] : memref<1000x128xf32, #tpu.memory_space<vmem>>, vector<1000x128xf32>
    tpu.vector_store %arg4[%swap3A, %swap3A_13], %add3A_12 {strides = array<i32>} : memref<1000x128xf32, #tpu.memory_space<vmem>>, vector<1000x128xf32>,
    return
  }
  func.func @transform_0(%arg0: i32) -> (i32, i32) {
    %c0_i32 = arith.constant 0 : i32
    %c0_i32_0 = arith.constant 0 : i32
    return %arg0, %c0_i32 : i32, i32
  }
  func.func @transform_1(%arg0: i32) -> (i32, i32) {
    %c0_i32 = arith.constant 0 : i32
    %c0_i32_0 = arith.constant 0 : i32
    return %arg0, %c0_i32 : i32, i32
  }
  func.func @transform_2(%arg0: i32) -> (i32, i32) {
    %c0_i32 = arith.constant 0 : i32
    %c0_i32_0 = arith.constant 0 : i32
    %c0_i32_1 = arith.constant 0 : i32
    return %c0_i32, %c0_i32_0 : i32, i32
  }
  func.func @transform_3(%arg0: i32) -> (i32, i32) {
    %c0_i32 = arith.constant 0 : i32
    %c0_i32_0 = arith.constant 0 : i32
    return %arg0, %c0_i32 : i32, i32
  }
}

</mosaic_0001>

<sc_bundles>
// kernel: kernel.11.cloned.1.call-start
scs
__scs_entry_jumppad:
0x0: {  	(pc) =	sbr.rel $0x88, $3  }
0x1: {  	(tag) =	ssettag $0x0;
	lr =	simm.s32 $0x1  }
0x2: {  	[smem:$0x3F97] =	sst lr;
	_ =	strace $0xD0000000  }
0x3: {  	_ = 	snop  }
0x4: {  	_ = 	snop  }
0x5: {  	_ = 	snop  }
0x6: {  	_ = 	snop  }
0x7: {  	_ = 	snop  }
__scs_overlays_trampoline_lowered:
0x8: {  	[smem:$0x3FA6] =	sst s0  }
0x9: {  	[smem:$0x3FA7] =	sst s1  }
0xa: {  	[smem:$0x3FA8] =	sst s2  }
0xb: {  	[smem:$0x3FA9] =	sst s3  }
0xc: {  	[smem:$0x3FAA] =	sst s4  }
0xd: {  	[smem:$0x3FAB] =	sst s5  }
0xe: {  	[smem:$0x3FAC] =	sst s6  }
0xf: {  	[smem:$0x3FAD] =	sst s7  }
0x10: {  	[smem:$0x3FAE] =	sst s8  }
0x11: {  	[smem:$0x3FAF] =	sst s9;
	s0 =	simm.s32 @!p0 $0x0  }
0x12: {  	s1 =	sld [smem:$0x3F95];
	s0 =	simm.s32 @p0 $0x1  }
0x13: {  	[smem:$0x3FB0] =	sst s0;
	s0 =	simm.s32 @!p1 $0x0  }
0x14: {  	s2 =	sld [smem:$0x3F94];
	s0 =	simm.s32 @p1 $0x1  }
0x15: {  	[smem:$0x3FB1] =	sst s0;
	s0 =	simm.s32 @!p2 $0x0  }
0x16: {  	s3 =	sld [smem:$0x3FDB];
	s0 =	simm.s32 @p2 $0x1  }
0x17: {  	s4 =	simm.s32 $0x1BF5;
	[smem:$0x3FB3] =	sst s0  }
0x18: {  	s0 =	sld [smem:$0x3F96];
	_ =	swait.ge [sflag:s4], $0x0  }
0x19: {  	s7 =	sld [smem:$0x3F97]  }
0x1a: {  	s8 =	sadd.s32 $0xFFFFE003, lr  }
0x1b: {  	s9 =	sadd.s32 $0xFFFFFEF7, lr;
	s5 =	simm.s32 $0xFFFFFFFF;
	p2 =	slt.u32 s8, $0xFFFFF086  }
0x1c: {  	p1 =	slt.u32 s9, $0xF7A;
	s5 =	simm.s32 @!p2 $0x0  }
0x1d: {  	s5 =	simm.s32 @p1 $0x1;
	p0 =	seq.s32 s7, s2  }
0x1e: {  	s7 =	smul.u32 @!p0 $0xF7A, s2;
	p2 =	seq.s32 @!p0 s5, $0x0  }
0x1f: {  	s9 =	smul.u32 $0xF7A, s1;
	s8 =	simm.s32 @!p0 $0x1BF5;
	p2 =	por !p2, p0  }
0x20: {  	[sflag:s8] =	ssyncset.s32 @!p0 $0xFFFFF086;
	s6 =	sadd.s32 @!p0 s3, s7;
	s7 =	simm.s32 @!p0 $0x108  }
0x21: {  	s3 =	sadd.s32 s3, s9;
	s6 =	sadd.s32 @!p0 $0x88, s6;
	s7 =	simm.s32 @p2 $0x1082  }
0x22: {  	[simem:s7], [sflag:s8] =	dma.local @!p0 [hbm:s6], $0xF7A  }
0x23: {  	s9 =	sor.u32 $0xD0000000, s2;
	s6 =	simm.s32 $0x108;
	_ =	swait.ge @!p0 [sflag:s8], $0x0  }
0x24: {  	s3 =	sadd.s32 $0x88, s3;
	s6 =	simm.s32 @!p1 $0x1082;
	[sflag:s4] =	ssyncset.s32 $0xFFFFF086  }
0x25: {  	[simem:s6], [sflag:s4] =	dma.local [hbm:s3], $0xF7A  }
0x26: {  	[smem:$0x3F97] =	sst s1;
	(tag) =	ssettag s2;
	_ =	strace s9  }
0x27: {  	s1 =	sld [smem:$0x3FA7]  }
0x28: {  	s2 =	sld [smem:$0x3FA8]  }
0x29: {  	s4 =	sld [smem:$0x3FAA]  }
0x2a: {  	p0 =	seq.s32 s5, $0x0;
	s5 =	sld [smem:$0x3FAB]  }
0x2b: {  	s6 =	sld [smem:$0x3FAC]  }
0x2c: {  	s7 =	sld [smem:$0x3FAD]  }
0x2d: {  	s3 =	simm.s32 $0x108;
	s8 =	sld [smem:$0x3FAE]  }
0x2e: {  	s3 =	simm.s32 @!p0 $0x1082;
	s9 =	sld [smem:$0x3FAF]  }
0x2f: {  	lr =	sadd.s32 s0, s3;
	s0 =	sld [smem:$0x3FA6]  }
0x30: {  	s3 =	sld [smem:$0x3FA9]  }
0x31: {  	[smem:$0x3FB2] =	sst s10  }
0x32: {  	s10 =	sld [smem:$0x3FB0];
	_ =	sdelay $0x3  }
0x33: {  	p0 =	seq.s32 s10, $0x1;
	s10 =	sld [smem:$0x3FB2];
	_ =	sdelay $0x3  }
0x34: {  	[smem:$0x3FB2] =	sst s10  }
0x35: {  	s10 =	sld [smem:$0x3FB1];
	_ =	sdelay $0x3  }
0x36: {  	p1 =	seq.s32 s10, $0x1;
	s10 =	sld [smem:$0x3FB2];
	_ =	sdelay $0x3  }
0x37: {  	[smem:$0x3FB2] =	sst s10  }
0x38: {  	s10 =	sld [smem:$0x3FB3]  }
0x39: {  	_ = 	snop;
	(pc) =	sbr.ind lr, $3  }
0x3a: {  	_ = 	snop  }
0x3b: {  	_ = 	snop  }
0x3c: {  	p2 =	seq.s32 s10, $0x1;
	s10 =	sld [smem:$0x3FB2]  }
0x3d: {  	_ =	shalt  }
0x3e: {  	_ =	shalt  }
0x3f: {  	_ =	shalt  }
0x40: {  	_ =	shalt  }
0x41: {  	_ =	shalt  }
0x42: {  	_ =	shalt  }
0x43: {  	_ =	shalt  }
0x44: {  	_ =	shalt  }
0x45: {  	_ =	shalt  }
0x46: {  	_ =	shalt  }
0x47: {  	_ =	shalt  }
0x48: {  	_ =	shalt  }
0x49: {  	_ =	shalt  }
0x4a: {  	_ =	shalt  }
0x4b: {  	_ =	shalt  }
0x4c: {  	_ =	shalt  }
0x4d: {  	_ =	shalt  }
0x4e: {  	_ =	shalt  }
0x4f: {  	_ =	shalt  }
0x50: {  	_ =	shalt  }
0x51: {  	_ =	shalt  }
0x52: {  	_ =	shalt  }
0x53: {  	_ =	shalt  }
0x54: {  	_ =	shalt  }
0x55: {  	_ =	shalt  }
0x56: {  	_ =	shalt  }
0x57: {  	_ =	shalt  }
0x58: {  	_ =	shalt  }
0x59: {  	_ =	shalt  }
0x5a: {  	_ =	shalt  }
0x5b: {  	_ =	shalt  }
0x5c: {  	_ =	shalt  }
0x5d: {  	_ =	shalt  }
0x5e: {  	_ =	shalt  }
0x5f: {  	_ =	shalt  }
0x60: {  	_ =	shalt  }
0x61: {  	_ =	shalt  }
0x62: {  	_ =	shalt  }
0x63: {  	_ =	shalt  }
0x64: {  	_ =	shalt  }
0x65: {  	_ =	shalt  }
0x66: {  	_ =	shalt  }
0x67: {  	_ =	shalt  }
0x68: {  	_ =	shalt  }
0x69: {  	_ =	shalt  }
0x6a: {  	_ =	shalt  }
0x6b: {  	_ =	shalt  }
0x6c: {  	_ =	shalt  }
0x6d: {  	_ =	shalt  }
0x6e: {  	_ =	shalt  }
0x6f: {  	_ =	shalt  }
0x70: {  	_ =	shalt  }
0x71: {  	_ =	shalt  }
0x72: {  	_ =	shalt  }
0x73: {  	_ =	shalt  }
0x74: {  	_ =	shalt  }
0x75: {  	_ =	shalt  }
0x76: {  	_ =	shalt  }
0x77: {  	_ =	shalt  }
0x78: {  	_ =	shalt  }
0x79: {  	_ =	shalt  }
0x7a: {  	_ =	shalt  }
0x7b: {  	_ =	shalt  }
0x7c: {  	_ =	shalt  }
0x7d: {  	_ =	shalt  }
0x7e: {  	_ =	shalt  }
0x7f: {  	_ =	shalt  }
0x80: {  	_ =	shalt  }
0x81: {  	_ =	shalt  }
0x82: {  	_ =	shalt  }
0x83: {  	_ =	shalt  }
0x84: {  	_ =	shalt  }
0x85: {  	_ =	shalt  }
0x86: {  	_ =	shalt  }
0x87: {  	_ =	shalt  }
.Lfunc_end0:
.L_simem_size_0:
called_computation.1_lowered:
.L_overlay_start_0:
0x88: {  	s0 =	sld [smem:$0x3FD9]  }
0x89: {  	s1 =	sld [smem:$0x3FFE];
	_ =	sdelay $0x3  }
0x8a: {  	s0 =	sadd.s32 s1, s0  }
0x8b: {  	[smem:$0x3FBE] =	sst s0  }
0x8c: {  	_ = 	snop  }
0x8d: {  	s0 =	sld [smem:$0x3FD0];
	(tm) =	ssettm $0x1  }
0x8e: {  	s16 =	sld [smem:$0x3FFB];
	_ =	sdelay $0x3  }
0x8f: {  	_ =	strace s16  }
0x90: {  	s1 =	sld [smem:$0x3FFC];
	_ =	sdelay $0x3  }
0x91: {  	_ =	strace s1  }
0x92: {  	s1 =	sld [smem:$0x3FFD];
	_ =	sdelay $0x3  }
0x93: {  	_ =	strace s1  }
0x94: {  	_ =	strace $0x8FFFFFFF  }
0x95: {  	s17 =	sld [smem:$0x3FDB];
	_ =	sdelay $0x1  }
0x96: {  	s2 =	simm.s32 $_scs_section_size  }
0x97: {  	s3 =	simm.s32 $_size__tile_overlayer_lowered;
	s4 =	simm.s32 $_tile_overlayer_lowered  }
0x98: {  	s20 =	simm.s32 $0x1BFF;
	s19 =	sshll.u32 s4, $0x1;
	s1 =	sadd.s32 s2, s17  }
0x99: {  	s5 =	simm.s32 $0x0;
	s18 =	sshll.u32 s3, $0x1;
	s3 =	sadd.s32 s19, s1  }
0x9a: {  	[timem:s5], [sflag:s20] =	dma.local [hbm:s3], s18  }
0x9b: {  	_ =	swait.ge [sflag:s20], s18  }
0x9c: {  	s2 =	ssub.s32 $0x0, s18;
	[sflag:s20] =	ssyncset.done $0x0  }
0x9d: {  	[sflag:s20] =	ssyncadd.s32 s2;
	_ =	sdelay $0x1  }
0x9e: {  	s21 =	simm.s32 $0x1B8B  }
0x9f: {  	_ =	swait.ge [sflag:s21], $0x1  }
0xa0: {  	[sflag:s21] =	ssyncset.done $0x0  }
0xa1: {  	s23 =	simm.s32 $0x1B8E;
	s22 =	sld [smem:$0x3FFE];
	[sflag:s21] =	ssyncadd.s32 $0xFFFFFFFF  }
0xa2: {  	s24 =	simm.s32 $execute0_lowered;
	[smem:$0x3FD2] =	sst s23  }
0xa3: {  	s3 =	sshll.u32 s24, $0x1;
	_ =	strace $0x80000049;
	[dreg:$0x1] =	wrdreg $0xFFFFFFFF  }
0xa4: {  	s25 =	simm.s32 $_size_execute0_lowered;
	s1 =	sadd.s32 s1, s3;
	[dreg:$0x0] =	wrdreg $0x0  }
0xa5: {  	s3 =	sshll.u32 s25, $0x1;
	[dreg:$0x2] =	wrdreg s1  }
0xa6: {  	[dreg:$0x3] =	wrdreg s3  }
0xa7: {  	[dreg:$0x4] =	wrdreg $0xC0  }
0xa8: {  	_ =	task [dreg:s5], $0x5FFFF  }
0xa9: {  	[dreg:$0x1] =	wrdreg $0xFFFFFFFF  }
0xaa: {  	[dreg:$0x0] =	wrdreg $0x60  }
0xab: {  	[dreg:$0x2] =	wrdreg s0  }
0xac: {  	[dreg:$0x3] =	wrdreg s22  }
0xad: {  	[dreg:$0x4] =	wrdreg $0x9  }
0xae: {  	_ =	task.clear_ibuf [dreg:s5], $0x5FFFF;
	_ =	strace $0x90000049  }
0xaf: {  	s26 =	simm.s32 $0x9;
	_ =	strace $0x8000004B  }
0xb0: {  	_ =	swait.ge [sflag:s26], $0x1  }
0xb1: {  	[sflag:s26] =	ssyncadd.s32 $0xFFFFFFFF  }
0xb2: {  	_ =	strace $0x9000004B  }
0xb3: {  	_ =	sfence  }
0xb4: {  	s28 =	sld [smem:$0x0];
	_ =	sdelay $0x1  }
0xb5: {  	s29 =	srdreg.scid  }
0xb6: {  	s30 =	sshll.u32 s29, $0xD;
	s31 =	sshrl.u32 s29, $0x2  }
0xb7: {  	s2 =	sand.u32 $0x4000, s30;
	s1 =	sand.u32 $0x1, s29;
	s0 =	sadd.s32 s31, s28  }
0xb8: {  	s1 =	sor.u32 s2, s1;
	s0 =	sshll.u32 s0, $0x11  }
0xb9: {  	s0 =	sor.u32 s0, s1  }
0xba: {  	s0 =	sadd.s32 $0x8F2B, s0  }
0xbb: {  	[sflag:s0] =	ssyncadd.remote.s32 $0x1  }
0xbc: {  	_ =	sfence.sel $0xFFFF  }
0xbd: {  	[dreg:$0x0] =	wrdreg $0xFFFFFFFF;
	(pc) =	sbr.abs _section_cstart, $3  }
0xbe: {  	[dreg:$0x1] =	wrdreg $0xFFFFFFFF  }
0xbf: {  	_ =	task.clear_ibuf [dreg:s5], $0x2FFFF;
	_ =	strace $0x9FFFFFFF  }
0xc0: {  	(tm) =	ssettm $0x7FFFFFFF  }
0xc1: {  	_ =	shalt  }
tec
execute0_lowered:
.L_overlay_start_1:
0x0: {  	(tag) =	ssettag $0x1  }
0x1: {  	s1 =	rddreg [dreg:$0x0]  }
0x2: {  	s3 =	rddreg [dreg:$0x1]  }
0x3: {  	s0 =	rddreg [dreg:$0x2];
	s2 =	simm.s32 $0x0  }
0x4: {  	s8 =	simm.s32 $0x1;
	s9 =	simm.s32 $0x50;
	s10 =	simm.s32 $0x80  }
0x5: {  	s11 =	simm.s32 $0x2880;
	[smem:$0x7FF] =	sst s2;
	s4 =	sadd.s32 $0xB600, s3  }
0x6: {  	s5 =	sadd.s32 $0x51E600, s3;
	s6 =	sadd.s32 $0x15400, s3;
	s3 =	stileid.u32  }
0x7: {  	s12 =	simm.s32 $0x0;
	_ =	strace $0x8000004A;
	s7 =	smul.u32 $0x4E20, s3  }
.LBB2_1:
0x8: {  	s13 =	smul.u32 $0x50, s12;
	_ =	sdelay $0x1  }
0x9: {  	s13 =	sadd.s32 s7, s13  }
0xa: {  	s14 =	sshrl.u32 s13, $0x3  }
0xb: {  	s14 =	sadd.s32 s4, s14  }
0xc: {  	[tilespmem:s2], [sflag:$0x1] =	stream.linear.gather [hbm4b:s14+s2], $0x50, $0x38;
	[tilespmem:$0x5080] =	vst v63  }
0xd: {  	_ =	swait.ge [sflag:s8], $0x50  }
0xe: {  	[sflag:s8] =	ssyncset.done $0x0  }
0xf: {  	[sflag:s8] =	ssyncadd.s32 $0xFFFFFFB0  }
0x10: {  	[tilespmem:s10], [sflag:$0x1] =	stream.indirect.gather [hbm4b:s1+s9], $0x80, s2, s9, $0xb8;
	[tilespmem:$0x5080] =	vst v63  }
0x11: {  	_ =	swait.ge [sflag:s8], $0x2800  }
0x12: {  	s13 =	sshll.u32 s13, $0x4;
	[sflag:s8] =	ssyncset.done $0x0  }
0x13: {  	s31 =	sadd.s32 s5, s13;
	[sflag:s8] =	ssyncadd.s32 $0xFFFFD800  }
0x14: {  	[tilespmem:s11], [sflag:$0x1] =	stream.linear.gather [hbm4b:s31+s2], $0x2800, $0x38;
	[tilespmem:$0x5080] =	vst v63  }
0x15: {  	_ =	swait.ge [sflag:s8], $0x2800  }
0x16: {  	[sflag:s8] =	ssyncset.done $0x0  }
0x17: {  	s14 =	simm.s32 $0x0;
	[sflag:s8] =	ssyncadd.s32 $0xFFFFD800  }
0x18: {  	v0 =	vld [tilespmem:s14+$0x2880]  }
0x19: {  	v4 =	vld [tilespmem:s14+$0x80]  }
0x1a: {  	v6 =	vld [tilespmem:s14+$0x90]  }
0x1b: {  	v5 =	vld [tilespmem:s14+$0xA0]  }
0x1c: {  	v3 =	vld [tilespmem:s14+$0xB0]  }
0x1d: {  	v1 =	vld [tilespmem:s14+$0xC0]  }
0x1e: {  	v2 =	vld [tilespmem:s14+$0xD0];
	v7 =	vmul.f32 v4, v0  }
0x1f: {  	s15 =	simm.s32 $0x200;
	v6 =	vmul.f32 v6, v0;
	v4 =	vld [tilespmem:s14+$0xE0]  }
.LBB2_2:
0x20: {  	s16 =	sshra.s32 s15, $0x2;
	p0 =	sne.s32 s15, $0x9E00;
	[tilespmem:s14+$0x80] =	vst v7;
	v5 =	vmul.f32 v5, v0;
	v7 =	vld [tilespmem:s14+$0xF0]  }
0x21: {  	v8 =	vld [tilespmem:s16+$0x2880];
	[tilespmem:s14+$0x90] =	vst v6;
	v3 =	vmul.f32 v3, v0  }
0x22: {  	v6 =	vld [tilespmem:s16+$0x80];
	[tilespmem:s14+$0xA0] =	vst v5;
	v1 =	vmul.f32 v1, v0  }
0x23: {  	v9 =	vld [tilespmem:s16+$0x90];
	[tilespmem:s14+$0xB0] =	vst v3;
	v2 =	vmul.f32 v2, v0  }
.Ltmp0:
0x24: {  	v5 =	vld [tilespmem:s16+$0xA0];
	[tilespmem:s14+$0xC0] =	vst v1;
	v4 =	vmul.f32 v4, v0;
	(pc) =	sbr.rel @p0 .LBB2_2-.Ltmp0, $4  }
0x25: {  	v3 =	vld [tilespmem:s16+$0xB0];
	[tilespmem:s14+$0xD0] =	vst v2;
	v10 =	vmul.f32 v7, v0  }
0x26: {  	v1 =	vld [tilespmem:s16+$0xC0];
	[tilespmem:s14+$0xE0] =	vst v4;
	v0 =	vmov v8  }
0x27: {  	v7 =	vmul.f32 v6, v0;
	v2 =	vld [tilespmem:s16+$0xD0];
	[tilespmem:s14+$0xF0] =	vst v10;
	s14 =	smov.u32 s16  }
0x28: {  	s15 =	sadd.s32 $0x200, s15;
	v6 =	vmul.f32 v9, v0;
	v4 =	vld [tilespmem:s14+$0xE0]  }
0x29: {  	[tilespmem:s14+$0x80] =	vst v7;
	v5 =	vmul.f32 v5, v0;
	v61 =	vld [tilespmem:s14+$0xF0]  }
0x2a: {  	[tilespmem:s14+$0x90] =	vst v6;
	v3 =	vmul.f32 v3, v0  }
0x2b: {  	[tilespmem:s14+$0xA0] =	vst v5;
	v1 =	vmul.f32 v1, v0  }
0x2c: {  	[tilespmem:s14+$0xB0] =	vst v3;
	v2 =	vmul.f32 v2, v0  }
0x2d: {  	[tilespmem:s14+$0xC0] =	vst v1;
	v62 =	vmul.f32 v4, v0  }
0x2e: {  	s12 =	sadd.s32 $0x1, s12;
	[tilespmem:s14+$0xD0] =	vst v2;
	v63 =	vmul.f32 v61, v0  }
0x2f: {  	p0 =	sne.s32 s12, $0xFA;
	[tilespmem:s14+$0xE0] =	vst v62  }
.Ltmp1:
0x30: {  	s13 =	sadd.s32 s6, s13;
	[tilespmem:s14+$0xF0] =	vst v63;
	(pc) =	sbr.rel @p0 .LBB2_1-.Ltmp1, $4  }
0x31: {  	[hbm4b:s13+s2] =	stream.linear.scatter [tilespmem:s10], [sflag:$0x1], $0x2800, $0x38;
	[tilespmem:$0x5080] =	vst v63  }
0x32: {  	_ =	swait.ge [sflag:s8], $0x2800  }
0x33: {  	[sflag:s8] =	ssyncset.done $0x0  }
0x34: {  	[sflag:s8] =	ssyncadd.s32 $0xFFFFD800  }
0x35: {  	_ =	sfence.sel $0x180000  }
0x36: {  	[bflag:$0x0] =	sbarrier.arrive $0xFFFF  }
0x37: {  	p0 =	sne.s32 s3, $0x0;
	_ =	strace $0x9000004A  }
0x38: {  	s0 =	sadd.s32 @!p0 $0x100000, s0;
	[bflag:$0x2] =	sbarrier.arrive $0xFFFF  }
0x39: {  	[sflag:s0] =	ssyncadd.tile.s32 @!p0 $0x1;
	_ =	shalt  }
.Lfunc_end2:
_tile_overlayer_lowered:
.L_overlay_start_2:
0x3a: {  	(tag) =	ssettag $0x2  }
0x3b: {  	s0 =	rddreg [dreg:$0x0];
	s2 =	stileid.u32  }
0x3c: {  	s1 =	rddreg [dreg:$0x1];
	p0 =	sne.s32 s2, $0x0  }
0x3d: {  	s3 =	rddreg [dreg:$0x2];
	[bflag:$0x3] =	sbarrier.arrive $0xFFFF;
	s2 =	simm.s32 @!p0 $0x1C01  }
0x3e: {  	[timem:s3], [sflag:s2] =	dma.local @!p0 [hbm:s0], s1  }
0x3f: {  	s0 =	simm.s32 @!p0 $0x1  }
0x40: {  	_ =	swait.ge @!p0 [sflag:s0], s1  }
0x41: {  	s1 =	ssub.s32 @!p0 $0x0, s1;
	[sflag:s0] =	ssyncset.done @!p0 $0x0  }
0x42: {  	[sflag:s0] =	ssyncadd.s32 @!p0 s1  }
0x43: {  	[bflag:$0x3] =	sbarrier.arrive $0xFFFF  }
0x44: {  	_ =	shalt  }

// kernel: kernel.8.cloned.1.call-start
scs
__scs_entry_jumppad:
0x0: {  	(pc) =	sbr.rel $0x88, $3  }
0x1: {  	(tag) =	ssettag $0x0;
	lr =	simm.s32 $0x1  }
0x2: {  	[smem:$0x3F97] =	sst lr;
	_ =	strace $0xD0000000  }
0x3: {  	_ = 	snop  }
0x4: {  	_ = 	snop  }
0x5: {  	_ = 	snop  }
0x6: {  	_ = 	snop  }
0x7: {  	_ = 	snop  }
__scs_overlays_trampoline_lowered:
0x8: {  	[smem:$0x3FA6] =	sst s0  }
0x9: {  	[smem:$0x3FA7] =	sst s1  }
0xa: {  	[smem:$0x3FA8] =	sst s2  }
0xb: {  	[smem:$0x3FA9] =	sst s3  }
0xc: {  	[smem:$0x3FAA] =	sst s4  }
0xd: {  	[smem:$0x3FAB] =	sst s5  }
0xe: {  	[smem:$0x3FAC] =	sst s6  }
0xf: {  	[smem:$0x3FAD] =	sst s7  }
0x10: {  	[smem:$0x3FAE] =	sst s8  }
0x11: {  	[smem:$0x3FAF] =	sst s9;
	s0 =	simm.s32 @!p0 $0x0  }
0x12: {  	s1 =	sld [smem:$0x3F95];
	s0 =	simm.s32 @p0 $0x1  }
0x13: {  	[smem:$0x3FB0] =	sst s0;
	s0 =	simm.s32 @!p1 $0x0  }
0x14: {  	s2 =	sld [smem:$0x3F94];
	s0 =	simm.s32 @p1 $0x1  }
0x15: {  	[smem:$0x3FB1] =	sst s0;
	s0 =	simm.s32 @!p2 $0x0  }
0x16: {  	s3 =	sld [smem:$0x3FDB];
	s0 =	simm.s32 @p2 $0x1  }
0x17: {  	s4 =	simm.s32 $0x1BF5;
	[smem:$0x3FB3] =	sst s0  }
0x18: {  	s0 =	sld [smem:$0x3F96];
	_ =	swait.ge [sflag:s4], $0x0  }
0x19: {  	s7 =	sld [smem:$0x3F97]  }
0x1a: {  	s8 =	sadd.s32 $0xFFFFE003, lr  }
0x1b: {  	s9 =	sadd.s32 $0xFFFFFEF7, lr;
	s5 =	simm.s32 $0xFFFFFFFF;
	p2 =	slt.u32 s8, $0xFFFFF086  }
0x1c: {  	p1 =	slt.u32 s9, $0xF7A;
	s5 =	simm.s32 @!p2 $0x0  }
0x1d: {  	s5 =	simm.s32 @p1 $0x1;
	p0 =	seq.s32 s7, s2  }
0x1e: {  	s7 =	smul.u32 @!p0 $0xF7A, s2;
	p2 =	seq.s32 @!p0 s5, $0x0  }
0x1f: {  	s9 =	smul.u32 $0xF7A, s1;
	s8 =	simm.s32 @!p0 $0x1BF5;
	p2 =	por !p2, p0  }
0x20: {  	[sflag:s8] =	ssyncset.s32 @!p0 $0xFFFFF086;
	s6 =	sadd.s32 @!p0 s3, s7;
	s7 =	simm.s32 @!p0 $0x108  }
0x21: {  	s3 =	sadd.s32 s3, s9;
	s6 =	sadd.s32 @!p0 $0x88, s6;
	s7 =	simm.s32 @p2 $0x1082  }
0x22: {  	[simem:s7], [sflag:s8] =	dma.local @!p0 [hbm:s6], $0xF7A  }
0x23: {  	s9 =	sor.u32 $0xD0000000, s2;
	s6 =	simm.s32 $0x108;
	_ =	swait.ge @!p0 [sflag:s8], $0x0  }
0x24: {  	s3 =	sadd.s32 $0x88, s3;
	s6 =	simm.s32 @!p1 $0x1082;
	[sflag:s4] =	ssyncset.s32 $0xFFFFF086  }
0x25: {  	[simem:s6], [sflag:s4] =	dma.local [hbm:s3], $0xF7A  }
0x26: {  	[smem:$0x3F97] =	sst s1;
	(tag) =	ssettag s2;
	_ =	strace s9  }
0x27: {  	s1 =	sld [smem:$0x3FA7]  }
0x28: {  	s2 =	sld [smem:$0x3FA8]  }
0x29: {  	s4 =	sld [smem:$0x3FAA]  }
0x2a: {  	p0 =	seq.s32 s5, $0x0;
	s5 =	sld [smem:$0x3FAB]  }
0x2b: {  	s6 =	sld [smem:$0x3FAC]  }
0x2c: {  	s7 =	sld [smem:$0x3FAD]  }
0x2d: {  	s3 =	simm.s32 $0x108;
	s8 =	sld [smem:$0x3FAE]  }
0x2e: {  	s3 =	simm.s32 @!p0 $0x1082;
	s9 =	sld [smem:$0x3FAF]  }
0x2f: {  	lr =	sadd.s32 s0, s3;
	s0 =	sld [smem:$0x3FA6]  }
0x30: {  	s3 =	sld [smem:$0x3FA9]  }
0x31: {  	[smem:$0x3FB2] =	sst s10  }
0x32: {  	s10 =	sld [smem:$0x3FB0];
	_ =	sdelay $0x3  }
0x33: {  	p0 =	seq.s32 s10, $0x1;
	s10 =	sld [smem:$0x3FB2];
	_ =	sdelay $0x3  }
0x34: {  	[smem:$0x3FB2] =	sst s10  }
0x35: {  	s10 =	sld [smem:$0x3FB1];
	_ =	sdelay $0x3  }
0x36: {  	p1 =	seq.s32 s10, $0x1;
	s10 =	sld [smem:$0x3FB2];
	_ =	sdelay $0x3  }
0x37: {  	[smem:$0x3FB2] =	sst s10  }
0x38: {  	s10 =	sld [smem:$0x3FB3]  }
0x39: {  	_ = 	snop;
	(pc) =	sbr.ind lr, $3  }
0x3a: {  	_ = 	snop  }
0x3b: {  	_ = 	snop  }
0x3c: {  	p2 =	seq.s32 s10, $0x1;
	s10 =	sld [smem:$0x3FB2]  }
0x3d: {  	_ =	shalt  }
0x3e: {  	_ =	shalt  }
0x3f: {  	_ =	shalt  }
0x40: {  	_ =	shalt  }
0x41: {  	_ =	shalt  }
0x42: {  	_ =	shalt  }
0x43: {  	_ =	shalt  }
0x44: {  	_ =	shalt  }
0x45: {  	_ =	shalt  }
0x46: {  	_ =	shalt  }
0x47: {  	_ =	shalt  }
0x48: {  	_ =	shalt  }
0x49: {  	_ =	shalt  }
0x4a: {  	_ =	shalt  }
0x4b: {  	_ =	shalt  }
0x4c: {  	_ =	shalt  }
0x4d: {  	_ =	shalt  }
0x4e: {  	_ =	shalt  }
0x4f: {  	_ =	shalt  }
0x50: {  	_ =	shalt  }
0x51: {  	_ =	shalt  }
0x52: {  	_ =	shalt  }
0x53: {  	_ =	shalt  }
0x54: {  	_ =	shalt  }
0x55: {  	_ =	shalt  }
0x56: {  	_ =	shalt  }
0x57: {  	_ =	shalt  }
0x58: {  	_ =	shalt  }
0x59: {  	_ =	shalt  }
0x5a: {  	_ =	shalt  }
0x5b: {  	_ =	shalt  }
0x5c: {  	_ =	shalt  }
0x5d: {  	_ =	shalt  }
0x5e: {  	_ =	shalt  }
0x5f: {  	_ =	shalt  }
0x60: {  	_ =	shalt  }
0x61: {  	_ =	shalt  }
0x62: {  	_ =	shalt  }
0x63: {  	_ =	shalt  }
0x64: {  	_ =	shalt  }
0x65: {  	_ =	shalt  }
0x66: {  	_ =	shalt  }
0x67: {  	_ =	shalt  }
0x68: {  	_ =	shalt  }
0x69: {  	_ =	shalt  }
0x6a: {  	_ =	shalt  }
0x6b: {  	_ =	shalt  }
0x6c: {  	_ =	shalt  }
0x6d: {  	_ =	shalt  }
0x6e: {  	_ =	shalt  }
0x6f: {  	_ =	shalt  }
0x70: {  	_ =	shalt  }
0x71: {  	_ =	shalt  }
0x72: {  	_ =	shalt  }
0x73: {  	_ =	shalt  }
0x74: {  	_ =	shalt  }
0x75: {  	_ =	shalt  }
0x76: {  	_ =	shalt  }
0x77: {  	_ =	shalt  }
0x78: {  	_ =	shalt  }
0x79: {  	_ =	shalt  }
0x7a: {  	_ =	shalt  }
0x7b: {  	_ =	shalt  }
0x7c: {  	_ =	shalt  }
0x7d: {  	_ =	shalt  }
0x7e: {  	_ =	shalt  }
0x7f: {  	_ =	shalt  }
0x80: {  	_ =	shalt  }
0x81: {  	_ =	shalt  }
0x82: {  	_ =	shalt  }
0x83: {  	_ =	shalt  }
0x84: {  	_ =	shalt  }
0x85: {  	_ =	shalt  }
0x86: {  	_ =	shalt  }
0x87: {  	_ =	shalt  }
.Lfunc_end0:
.L_simem_size_0:
called_computation_lowered:
.L_overlay_start_0:
0x88: {  	s0 =	sld [smem:$0x3FD9]  }
0x89: {  	s1 =	sld [smem:$0x3FFE];
	_ =	sdelay $0x3  }
0x8a: {  	s0 =	sadd.s32 s1, s0  }
0x8b: {  	[smem:$0x3FBE] =	sst s0  }
0x8c: {  	_ = 	snop  }
0x8d: {  	s0 =	sld [smem:$0x3FC1]  }
0x8e: {  	s16 =	sld [smem:$0x3FD0];
	(tm) =	ssettm $0x1  }
0x8f: {  	s2 =	sld [smem:$0x3FFB];
	_ =	sdelay $0x3  }
0x90: {  	_ =	strace s2  }
0x91: {  	s2 =	sld [smem:$0x3FFC];
	_ =	sdelay $0x3  }
0x92: {  	_ =	strace s2  }
0x93: {  	s2 =	sld [smem:$0x3FFD];
	_ =	sdelay $0x3  }
0x94: {  	_ =	strace s2  }
0x95: {  	_ =	strace $0x8FFFFFFF  }
0x96: {  	s17 =	sld [smem:$0x3FDB];
	_ =	sdelay $0x1  }
0x97: {  	s3 =	simm.s32 $_scs_section_size  }
0x98: {  	s4 =	simm.s32 $_size__tile_overlayer_lowered;
	s5 =	simm.s32 $_tile_overlayer_lowered  }
0x99: {  	s20 =	simm.s32 $0x1BFF;
	s19 =	sshll.u32 s5, $0x1;
	s2 =	sadd.s32 s3, s17  }
0x9a: {  	s6 =	simm.s32 $0x0;
	s18 =	sshll.u32 s4, $0x1;
	s4 =	sadd.s32 s19, s2  }
0x9b: {  	[timem:s6], [sflag:s20] =	dma.local [hbm:s4], s18  }
0x9c: {  	_ =	swait.ge [sflag:s20], s18  }
0x9d: {  	s3 =	ssub.s32 $0x0, s18;
	[sflag:s20] =	ssyncset.done $0x0  }
0x9e: {  	[sflag:s20] =	ssyncadd.s32 s3;
	_ =	sdelay $0x1  }
0x9f: {  	s21 =	simm.s32 $0x1B8B  }
0xa0: {  	_ =	swait.ge [sflag:s21], $0x1  }
0xa1: {  	[sflag:s21] =	ssyncset.done $0x0  }
0xa2: {  	s23 =	simm.s32 $0x1B8E;
	s22 =	sld [smem:$0x3FFE];
	[sflag:s21] =	ssyncadd.s32 $0xFFFFFFFF  }
0xa3: {  	s24 =	simm.s32 $execute0_lowered;
	[smem:$0x3FD2] =	sst s23  }
0xa4: {  	s4 =	sshll.u32 s24, $0x1;
	_ =	strace $0x80000046;
	[dreg:$0x1] =	wrdreg $0xFFFFFFFF  }
0xa5: {  	s25 =	simm.s32 $_size_execute0_lowered;
	s2 =	sadd.s32 s2, s4;
	[dreg:$0x0] =	wrdreg $0x0  }
0xa6: {  	s4 =	sshll.u32 s25, $0x1;
	[dreg:$0x2] =	wrdreg s2  }
0xa7: {  	[dreg:$0x3] =	wrdreg s4  }
0xa8: {  	[dreg:$0x4] =	wrdreg $0xC0  }
0xa9: {  	_ =	task [dreg:s6], $0x5FFFF  }
0xaa: {  	[dreg:$0x1] =	wrdreg $0xFFFFFFFF  }
0xab: {  	[dreg:$0x0] =	wrdreg $0x60  }
0xac: {  	[dreg:$0x2] =	wrdreg s16  }
0xad: {  	[dreg:$0x3] =	wrdreg s22  }
0xae: {  	[dreg:$0x4] =	wrdreg s0  }
0xaf: {  	[dreg:$0x5] =	wrdreg $0x9  }
0xb0: {  	_ =	task.clear_ibuf [dreg:s6], $0x6FFFF;
	_ =	strace $0x90000046  }
0xb1: {  	s26 =	simm.s32 $0x9;
	_ =	strace $0x80000048  }
0xb2: {  	_ =	swait.ge [sflag:s26], $0x1  }
0xb3: {  	[sflag:s26] =	ssyncadd.s32 $0xFFFFFFFF  }
0xb4: {  	_ =	strace $0x90000048  }
0xb5: {  	_ =	sfence  }
0xb6: {  	s28 =	sld [smem:$0x0];
	_ =	sdelay $0x1  }
0xb7: {  	s29 =	srdreg.scid  }
0xb8: {  	s30 =	sshll.u32 s29, $0xD;
	s31 =	sshrl.u32 s29, $0x2  }
0xb9: {  	s1 =	sand.u32 $0x1, s29;
	s2 =	sand.u32 $0x4000, s30;
	s0 =	sadd.s32 s31, s28  }
0xba: {  	s1 =	sor.u32 s2, s1;
	s0 =	sshll.u32 s0, $0x11  }
0xbb: {  	s0 =	sor.u32 s0, s1  }
0xbc: {  	s0 =	sadd.s32 $0x8F2B, s0  }
0xbd: {  	[sflag:s0] =	ssyncadd.remote.s32 $0x1  }
0xbe: {  	_ =	sfence.sel $0xFFFF  }
0xbf: {  	[dreg:$0x0] =	wrdreg $0xFFFFFFFF;
	(pc) =	sbr.abs _section_cstart, $3  }
0xc0: {  	[dreg:$0x1] =	wrdreg $0xFFFFFFFF  }
0xc1: {  	_ =	task.clear_ibuf [dreg:s6], $0x2FFFF;
	_ =	strace $0x9FFFFFFF  }
0xc2: {  	(tm) =	ssettm $0x7FFFFFFF  }
0xc3: {  	_ =	shalt  }
tec
execute0_lowered:
.L_overlay_start_1:
0x0: {  	(tag) =	ssettag $0x1  }
0x1: {  	s1 =	rddreg [dreg:$0x0]  }
0x2: {  	s5 =	rddreg [dreg:$0x1]  }
0x3: {  	s3 =	rddreg [dreg:$0x2];
	s2 =	simm.s32 $0x0  }
0x4: {  	[smem:$0x7FF] =	sst s2  }
0x5: {  	s0 =	rddreg [dreg:$0x3];
	s4 =	simm.s32 $0x5100;
	_ =	strace $0x80000047  }
0x6: {  	[tilespmem:s4], [sflag:$0x1] =	stream.linear.gather [hbm4b:s3+s2], $0x80, $0x38;
	[tilespmem:$0x5180] =	vst v63  }
0x7: {  	s3 =	simm.s32 $0x1  }
0x8: {  	_ =	swait.ge [sflag:s3], $0x80  }
0x9: {  	[sflag:s3] =	ssyncset.done $0x0  }
0xa: {  	[sflag:s3] =	ssyncadd.s32 $0xFFFFFF80  }
0xb: {  	v0 =	vld [tilespmem:$0x5100]  }
0xc: {  	v1 =	vld [tilespmem:$0x5110]  }
0xd: {  	v2 =	vld [tilespmem:$0x5120]  }
0xe: {  	v3 =	vld [tilespmem:$0x5130]  }
0xf: {  	s10 =	simm.s32 $0x80;
	s11 =	simm.s32 $0x50;
	v4 =	vld [tilespmem:$0x5140]  }
0x10: {  	s12 =	simm.s32 $0x100;
	s6 =	sadd.s32 $0xB600, s5;
	s7 =	sadd.s32 $0x1800, s5;
	v5 =	vld [tilespmem:$0x5150]  }
0x11: {  	s8 =	sadd.s32 $0x3C600, s5;
	s4 =	sadd.s32 $0x15400, s5;
	s5 =	stileid.u32;
	v6 =	vld [tilespmem:$0x5160]  }
0x12: {  	s13 =	simm.s32 $0x2900;
	s14 =	simm.s32 $0x0;
	s9 =	smul.u32 $0x4E20, s5;
	v7 =	vld [tilespmem:$0x5170]  }
.LBB2_1:
0x13: {  	s15 =	smul.u32 $0x50, s14;
	_ =	sdelay $0x1  }
0x14: {  	s15 =	sadd.s32 s9, s15  }
0x15: {  	s16 =	sshrl.u32 s15, $0x3  }
0x16: {  	s17 =	sadd.s32 s6, s16  }
0x17: {  	[tilespmem:s2], [sflag:$0x1] =	stream.linear.gather [hbm4b:s17+s2], $0x50, $0x38;
	[tilespmem:$0x5180] =	vst v63  }
0x18: {  	_ =	swait.ge [sflag:s3], $0x50  }
0x19: {  	[sflag:s3] =	ssyncset.done $0x0  }
0x1a: {  	s16 =	sadd.s32 s7, s16;
	[sflag:s3] =	ssyncadd.s32 $0xFFFFFFB0  }
0x1b: {  	[tilespmem:s10], [sflag:$0x1] =	stream.linear.gather [hbm4b:s16+s2], $0x50, $0x38;
	[tilespmem:$0x5180] =	vst v63  }
0x1c: {  	_ =	swait.ge [sflag:s3], $0x50  }
0x1d: {  	[sflag:s3] =	ssyncset.done $0x0  }
0x1e: {  	[sflag:s3] =	ssyncadd.s32 $0xFFFFFFB0  }
0x1f: {  	[tilespmem:s12], [sflag:$0x1] =	stream.indirect.gather [hbm4b:s1+s11], $0x80, s2, s11, $0xb8;
	[tilespmem:$0x5180] =	vst v63  }
0x20: {  	_ =	swait.ge [sflag:s3], $0x2800  }
0x21: {  	[sflag:s3] =	ssyncset.done $0x0  }
0x22: {  	[sflag:s3] =	ssyncadd.s32 $0xFFFFD800  }
0x23: {  	[tilespmem:s13], [sflag:$0x1] =	stream.indirect.gather [hbm4b:s4+s11], $0x80, s10, s11, $0xb8;
	[tilespmem:$0x5180] =	vst v63  }
0x24: {  	_ =	swait.ge [sflag:s3], $0x2800  }
0x25: {  	[sflag:s3] =	ssyncset.done $0x0  }
0x26: {  	s19 =	simm.s32 $0x0;
	[sflag:s3] =	ssyncadd.s32 $0xFFFFD800  }
0x27: {  	v8 =	vld [tilespmem:s19+$0x2920]  }
0x28: {  	v9 =	vld [tilespmem:s19+$0x120]  }
0x29: {  	v10 =	vld [tilespmem:s19+$0x2950]  }
0x2a: {  	v11 =	vld [tilespmem:s19+$0x150];
	_ =	sdelay $0x2  }
0x2b: {  	v8 =	vadd.f32 v8, v9;
	_ =	sdelay $0x1  }
0x2c: {  	v12 =	vld [tilespmem:s19+$0x2940];
	v10 =	vadd.f32 v10, v11;
	v11 =	vmin.f32 v8, $0.0e+00  }
0x2d: {  	v9 =	vld [tilespmem:s19+$0x140];
	v11 =	vmul.f32 $2.000000030e-01, v11  }
0x2e: {  	v8 =	vmax.f32 v8, $0.0e+00;
	v15 =	vmin.f32 v10, $0.0e+00  }
0x2f: {  	s17 =	simm.s32 $0x80;
	v13 =	vld [tilespmem:s19+$0x2930];
	v8 =	vadd.f32 v11, v8;
	v11 =	vmul.f32 $2.000000030e-01, v15  }
0x30: {  	v14 =	vld [tilespmem:s17+$0x2940];
	v10 =	vmax.f32 v10, $0.0e+00  }
0x31: {  	v17 =	vld [tilespmem:s17+$0x2920];
	v8 =	vmul.f32 v8, v2;
	v10 =	vadd.f32 v11, v10  }
0x32: {  	v15 =	vld [tilespmem:s19+$0x2960];
	v9 =	vadd.f32 v12, v9  }
0x33: {  	v12 =	vld [tilespmem:s19+$0x160];
	[tilespmem:s19+$0x120] =	vst v8;
	v8 =	vmul.f32 v10, v5  }
0x34: {  	v11 =	vld [tilespmem:s19+$0x130];
	v16 =	vmin.f32 v9, $0.0e+00  }
0x35: {  	v16 =	vmul.f32 $2.000000030e-01, v16;
	v10 =	vld [tilespmem:s17+$0x2950];
	[tilespmem:s19+$0x150] =	vst v8  }
0x36: {  	v9 =	vmax.f32 v9, $0.0e+00;
	v8 =	vld [tilespmem:s17+$0x120]  }
0x37: {  	v9 =	vadd.f32 v16, v9  }
0x38: {  	v12 =	vadd.f32 v15, v12;
	v15 =	vld [tilespmem:s17+$0x150]  }
0x39: {  	v9 =	vmul.f32 v9, v4;
	v11 =	vadd.f32 v13, v11  }
0x3a: {  	v13 =	vmin.f32 v12, $0.0e+00  }
0x3b: {  	v13 =	vmul.f32 $2.000000030e-01, v13;
	[tilespmem:s19+$0x140] =	vst v9;
	v16 =	vmin.f32 v11, $0.0e+00;
	v8 =	vadd.f32 v17, v8  }
0x3c: {  	v12 =	vmax.f32 v12, $0.0e+00;
	v16 =	vmul.f32 $2.000000030e-01, v16;
	v17 =	vld [tilespmem:s17+$0x140]  }
0x3d: {  	v12 =	vadd.f32 v13, v12;
	v10 =	vadd.f32 v10, v15;
	v15 =	vmin.f32 v8, $0.0e+00  }
0x3e: {  	v19 =	vld [tilespmem:s19+$0x110];
	v11 =	vmax.f32 v11, $0.0e+00;
	v15 =	vmul.f32 $2.000000030e-01, v15  }
0x3f: {  	s16 =	simm.s32 $0x100;
	v18 =	vld [tilespmem:s17+$0x2930];
	v11 =	vadd.f32 v16, v11;
	v12 =	vmul.f32 v12, v6;
	v8 =	vmax.f32 v8, $0.0e+00  }
0x40: {  	v13 =	vld [tilespmem:s16+$0x2940];
	v20 =	vmin.f32 v10, $0.0e+00;
	v8 =	vadd.f32 v15, v8  }
0x41: {  	v16 =	vld [tilespmem:s17+$0x2960];
	v11 =	vmul.f32 v11, v3;
	[tilespmem:s19+$0x160] =	vst v12;
	v12 =	vmul.f32 $2.000000030e-01, v20;
	v14 =	vadd.f32 v14, v17  }
0x42: {  	v9 =	vld [tilespmem:s19+$0x2910];
	v10 =	vmax.f32 v10, $0.0e+00;
	v8 =	vmul.f32 v8, v2  }
0x43: {  	v15 =	vld [tilespmem:s17+$0x160];
	[tilespmem:s19+$0x130] =	vst v11;
	v10 =	vadd.f32 v12, v10;
	v12 =	vmin.f32 v14, $0.0e+00  }
0x44: {  	v17 =	vld [tilespmem:s16+$0x2920];
	[tilespmem:s17+$0x120] =	vst v8;
	v8 =	vmul.f32 $2.000000030e-01, v12  }
0x45: {  	v10 =	vmul.f32 v10, v5;
	v12 =	vmax.f32 v14, $0.0e+00  }
0x46: {  	v11 =	vld [tilespmem:s17+$0x130];
	v8 =	vadd.f32 v8, v12  }
0x47: {  	v14 =	vld [tilespmem:s16+$0x2950];
	[tilespmem:s17+$0x150] =	vst v10  }
0x48: {  	v9 =	vadd.f32 v9, v19;
	v10 =	vld [tilespmem:s16+$0x120];
	v8 =	vmul.f32 v8, v4  }
0x49: {  	v12 =	vld [tilespmem:s16+$0x150]  }
0x4a: {  	v20 =	vld [tilespmem:s19+$0x2900];
	[tilespmem:s17+$0x140] =	vst v8;
	v8 =	vadd.f32 v16, v15;
	v15 =	vmin.f32 v9, $0.0e+00  }
0x4b: {  	v11 =	vadd.f32 v18, v11;
	v15 =	vmul.f32 $2.000000030e-01, v15  }
0x4c: {  	v16 =	vld [tilespmem:s17+$0x2910];
	v9 =	vmax.f32 v9, $0.0e+00;
	v18 =	vmin.f32 v8, $0.0e+00  }
0x4d: {  	v23 =	vmin.f32 v11, $0.0e+00;
	v19 =	vld [tilespmem:s19+$0x2970];
	v18 =	vmul.f32 $2.000000030e-01, v18;
	v9 =	vadd.f32 v15, v9  }
0x4e: {  	v23 =	vmul.f32 $2.000000030e-01, v23;
	v21 =	vld [tilespmem:s16+$0x2930];
	v10 =	vadd.f32 v17, v10;
	v8 =	vmax.f32 v8, $0.0e+00  }
0x4f: {  	v11 =	vmax.f32 v11, $0.0e+00;
	v22 =	vld [tilespmem:s16+$0x140];
	v18 =	vadd.f32 v18, v8;
	v9 =	vmul.f32 v9, v1  }
0x50: {  	s18 =	simm.s32 $0x180;
	v12 =	vadd.f32 v14, v12;
	v14 =	vld [tilespmem:s16+$0x2960];
	v11 =	vadd.f32 v23, v11;
	v23 =	vmin.f32 v10, $0.0e+00  }
0x51: {  	v8 =	vld [tilespmem:s18+$0x2940];
	v18 =	vmul.f32 v18, v6;
	[tilespmem:s19+$0x110] =	vst v9;
	v9 =	vmul.f32 $2.000000030e-01, v23  }
0x52: {  	v15 =	vld [tilespmem:s19+$0x170];
	v10 =	vmax.f32 v10, $0.0e+00  }
0x53: {  	v17 =	vld [tilespmem:s19+$0x100];
	v11 =	vmul.f32 v11, v3;
	[tilespmem:s17+$0x160] =	vst v18;
	v18 =	vmin.f32 v12, $0.0e+00;
	v9 =	vadd.f32 v9, v10  }
0x54: {  	v13 =	vadd.f32 v13, v22;
	v23 =	vld [tilespmem:s17+$0x110];
	v10 =	vmul.f32 $2.000000030e-01, v18  }
0x55: {  	v12 =	vmax.f32 v12, $0.0e+00;
	v18 =	vld [tilespmem:s16+$0x160];
	[tilespmem:s17+$0x130] =	vst v11;
	v9 =	vmul.f32 v9, v2  }
0x56: {  	v11 =	vld [tilespmem:s16+$0x130];
	v10 =	vadd.f32 v10, v12;
	v12 =	vmin.f32 v13, $0.0e+00  }
0x57: {  	v15 =	vadd.f32 v19, v15;
	v24 =	vld [tilespmem:s18+$0x2920];
	[tilespmem:s16+$0x120] =	vst v9;
	v9 =	vmul.f32 $2.000000030e-01, v12  }
0x58: {  	v17 =	vadd.f32 v20, v17;
	v12 =	vmax.f32 v13, $0.0e+00;
	v10 =	vmul.f32 v10, v5  }
0x59: {  	v19 =	vmin.f32 v15, $0.0e+00;
	v15 =	vmax.f32 v15, $0.0e+00;
	v9 =	vadd.f32 v9, v12  }
0x5a: {  	v13 =	vld [tilespmem:s18+$0x2950];
	v12 =	vmin.f32 v17, $0.0e+00;
	v17 =	vmax.f32 v17, $0.0e+00;
	[tilespmem:s16+$0x150] =	vst v10;
	v10 =	vmul.f32 $2.000000030e-01, v19  }
0x5b: {  	v19 =	vadd.f32 v16, v23;
	v16 =	vadd.f32 v14, v18;
	v12 =	vmul.f32 $2.000000030e-01, v12;
	v23 =	vld [tilespmem:s18+$0x120]  }
0x5c: {  	v25 =	vadd.f32 v21, v11;
	v14 =	vld [tilespmem:s18+$0x150];
	v9 =	vmul.f32 v9, v4;
	v15 =	vadd.f32 v10, v15  }
0x5d: {  	v11 =	vld [tilespmem:s17+$0x2900];
	v18 =	vmin.f32 v16, $0.0e+00;
	v10 =	vmin.f32 v19, $0.0e+00;
	v26 =	vadd.f32 v12, v17  }
0x5e: {  	v17 =	vmin.f32 v25, $0.0e+00;
	v16 =	vmax.f32 v16, $0.0e+00;
	[tilespmem:s16+$0x140] =	vst v9;
	v20 =	vmul.f32 $2.000000030e-01, v10;
	v10 =	vld [tilespmem:s16+$0x2910]  }
0x5f: {  	v21 =	vmax.f32 v19, $0.0e+00;
	v19 =	vmax.f32 v25, $0.0e+00;
	v12 =	vld [tilespmem:s17+$0x2970];
	v22 =	vmul.f32 v15, v7  }
0x60: {  	s20 =	simm.s32 $0x800;
	v18 =	vmul.f32 $2.000000030e-01, v18;
	v9 =	vld [tilespmem:s18+$0x2930];
	v15 =	vadd.f32 v24, v23;
	v23 =	vmul.f32 v26, v0  }
.LBB2_2:
0x61: {  	s21 =	sshra.s32 s20, $0x2;
	p0 =	sne.s32 s20, $0x9E00;
	s20 =	sadd.s32 $0x200, s20;
	v24 =	vld [tilespmem:s18+$0x140];
	v13 =	vadd.f32 v13, v14;
	v14 =	vmul.f32 $2.000000030e-01, v17;
	v17 =	vadd.f32 v20, v21;
	[tilespmem:s19+$0x170] =	vst v22  }
0x62: {  	v16 =	vadd.f32 v18, v16;
	v20 =	vmin.f32 v15, $0.0e+00;
	v18 =	vld [tilespmem:s17+$0x170];
	[tilespmem:s19+$0x100] =	vst v23;
	s19 =	smov.u32 s17;
	s17 =	smov.u32 s16;
	s16 =	smov.u32 s18  }
0x63: {  	s18 =	smov.u32 s21;
	v20 =	vmul.f32 $2.000000030e-01, v20;
	v14 =	vadd.f32 v14, v19;
	v19 =	vld [tilespmem:s19+$0x100];
	v17 =	vmul.f32 v17, v1  }
0x64: {  	v15 =	vmax.f32 v15, $0.0e+00;
	v22 =	vmin.f32 v13, $0.0e+00;
	v16 =	vmul.f32 v16, v6;
	v21 =	vld [tilespmem:s18+$0x2940]  }
0x65: {  	v15 =	vadd.f32 v20, v15;
	v20 =	vmul.f32 $2.000000030e-01, v22;
	v22 =	vld [tilespmem:s16+$0x2960];
	v14 =	vmul.f32 v14, v3;
	[tilespmem:s19+$0x110] =	vst v17  }
0x66: {  	v13 =	vmax.f32 v13, $0.0e+00;
	v25 =	vadd.f32 v8, v24;
	v17 =	vld [tilespmem:s17+$0x110];
	[tilespmem:s17+$0x160] =	vst v16  }
0x67: {  	v15 =	vmul.f32 v15, v2;
	v13 =	vadd.f32 v20, v13;
	v16 =	vld [tilespmem:s16+$0x160];
	[tilespmem:s17+$0x130] =	vst v14;
	v12 =	vadd.f32 v12, v18  }
0x68: {  	v18 =	vld [tilespmem:s16+$0x130];
	v14 =	vmax.f32 v25, $0.0e+00;
	v24 =	vmin.f32 v25, $0.0e+00;
	v11 =	vadd.f32 v11, v19  }
0x69: {  	v19 =	vld [tilespmem:s18+$0x2920];
	[tilespmem:s16+$0x120] =	vst v15;
	v15 =	vmul.f32 $2.000000030e-01, v24;
	v20 =	vmul.f32 v13, v5;
	v23 =	vmin.f32 v12, $0.0e+00;
	v8 =	vmovc v21  }
0x6a: {  	v12 =	vmax.f32 v12, $0.0e+00;
	v13 =	vld [tilespmem:s18+$0x2950];
	v21 =	vmul.f32 $2.000000030e-01, v23  }
0x6b: {  	v15 =	vadd.f32 v15, v14;
	[tilespmem:s16+$0x150] =	vst v20;
	v23 =	vadd.f32 v10, v17;
	v10 =	vmin.f32 v11, $0.0e+00  }
0x6c: {  	v17 =	vmax.f32 v11, $0.0e+00;
	v24 =	vld [tilespmem:s18+$0x120];
	v16 =	vadd.f32 v22, v16;
	v10 =	vmul.f32 $2.000000030e-01, v10  }
.Ltmp0:
0x6d: {  	v14 =	vld [tilespmem:s18+$0x150];
	v25 =	vadd.f32 v9, v18;
	v9 =	vmul.f32 v15, v4;
	v15 =	vadd.f32 v21, v12;
	(pc) =	sbr.rel @p0 .LBB2_2-.Ltmp0, $4  }
0x6e: {  	v12 =	vmin.f32 v23, $0.0e+00;
	v18 =	vmin.f32 v16, $0.0e+00;
	v11 =	vld [tilespmem:s17+$0x2900];
	v26 =	vadd.f32 v10, v17  }
0x6f: {  	v16 =	vmax.f32 v16, $0.0e+00;
	v20 =	vmul.f32 $2.000000030e-01, v12;
	v17 =	vmin.f32 v25, $0.0e+00;
	[tilespmem:s16+$0x140] =	vst v9;
	v12 =	vld [tilespmem:s17+$0x2970]  }
0x70: {  	v21 =	vmax.f32 v23, $0.0e+00;
	v18 =	vmul.f32 $2.000000030e-01, v18;
	v22 =	vmul.f32 v15, v7;
	v10 =	vld [tilespmem:s16+$0x2910]  }
0x71: {  	v23 =	vmul.f32 v26, v0;
	v15 =	vadd.f32 v19, v24;
	v9 =	vld [tilespmem:s18+$0x2930];
	v19 =	vmax.f32 v25, $0.0e+00  }
0x72: {  	v24 =	vld [tilespmem:s18+$0x140];
	_ =	sdelay $0x1  }
0x73: {  	[tilespmem:s19+$0x170] =	vst v22;
	v20 =	vadd.f32 v20, v21  }
0x74: {  	v13 =	vadd.f32 v13, v14;
	v29 =	vmul.f32 $2.000000030e-01, v17;
	v16 =	vadd.f32 v18, v16;
	v28 =	vld [tilespmem:s17+$0x170];
	[tilespmem:s19+$0x100] =	vst v23  }
0x75: {  	v30 =	vmin.f32 v15, $0.0e+00;
	v32 =	vmax.f32 v15, $0.0e+00;
	v31 =	vld [tilespmem:s17+$0x100];
	v20 =	vmul.f32 v20, v1  }
0x76: {  	v17 =	vmul.f32 $2.000000030e-01, v30;
	v34 =	vmin.f32 v13, $0.0e+00;
	v8 =	vadd.f32 v8, v24  }
0x77: {  	v14 =	vadd.f32 v29, v19;
	v16 =	vmul.f32 v16, v6;
	v35 =	vmul.f32 $2.000000030e-01, v34  }
0x78: {  	v33 =	vld [tilespmem:s18+$0x2960];
	v13 =	vmax.f32 v13, $0.0e+00;
	[tilespmem:s17+$0x110] =	vst v20;
	v15 =	vadd.f32 v17, v32;
	v36 =	vmin.f32 v8, $0.0e+00  }
0x79: {  	[tilespmem:s16+$0x160] =	vst v16;
	v13 =	vadd.f32 v35, v13;
	v12 =	vadd.f32 v12, v28;
	v16 =	vmul.f32 $2.000000030e-01, v36  }
0x7a: {  	v14 =	vmul.f32 v14, v3;
	v8 =	vmax.f32 v8, $0.0e+00;
	v11 =	vadd.f32 v11, v31  }
0x7b: {  	v13 =	vmul.f32 v13, v5;
	v38 =	vmin.f32 v12, $0.0e+00;
	v8 =	vadd.f32 v16, v8  }
0x7c: {  	v37 =	vld [tilespmem:s18+$0x160];
	v15 =	vmul.f32 v15, v2;
	[tilespmem:s16+$0x130] =	vst v14;
	v39 =	vmul.f32 $2.000000030e-01, v38;
	v40 =	vmin.f32 v11, $0.0e+00  }
0x7d: {  	v20 =	vld [tilespmem:s16+$0x110];
	v12 =	vmax.f32 v12, $0.0e+00;
	[tilespmem:s18+$0x150] =	vst v13;
	v13 =	vmul.f32 $2.000000030e-01, v40;
	v8 =	vmul.f32 v8, v4  }
0x7e: {  	v14 =	vld [tilespmem:s18+$0x130];
	[tilespmem:s18+$0x120] =	vst v15;
	v11 =	vmax.f32 v11, $0.0e+00;
	v12 =	vadd.f32 v39, v12  }
0x7f: {  	v41 =	vld [tilespmem:s16+$0x2900];
	[tilespmem:s18+$0x140] =	vst v8;
	v8 =	vadd.f32 v13, v11  }
0x80: {  	v12 =	vmul.f32 v12, v7  }
0x81: {  	v43 =	vld [tilespmem:s18+$0x2910];
	v8 =	vmul.f32 v8, v0  }
0x82: {  	v42 =	vld [tilespmem:s16+$0x2970];
	[tilespmem:s17+$0x170] =	vst v12  }
0x83: {  	v10 =	vadd.f32 v10, v20;
	v12 =	vld [tilespmem:s16+$0x170];
	[tilespmem:s17+$0x100] =	vst v8  }
0x84: {  	v8 =	vadd.f32 v9, v14;
	v47 =	vld [tilespmem:s16+$0x100]  }
0x85: {  	v44 =	vadd.f32 v33, v37;
	v45 =	vmin.f32 v10, $0.0e+00  }
0x86: {  	v46 =	vmul.f32 $2.000000030e-01, v45;
	v49 =	vmin.f32 v8, $0.0e+00  }
0x87: {  	v10 =	vmax.f32 v10, $0.0e+00;
	v48 =	vmin.f32 v44, $0.0e+00;
	v51 =	vmul.f32 $2.000000030e-01, v49  }
0x88: {  	v9 =	vadd.f32 v46, v10;
	v8 =	vmax.f32 v8, $0.0e+00;
	v11 =	vadd.f32 v42, v12  }
0x89: {  	v50 =	vmax.f32 v44, $0.0e+00;
	v8 =	vadd.f32 v51, v8;
	v52 =	vadd.f32 v41, v47  }
0x8a: {  	v17 =	vmul.f32 $2.000000030e-01, v48;
	v9 =	vmul.f32 v9, v1;
	v53 =	vmin.f32 v11, $0.0e+00  }
0x8b: {  	v54 =	vmul.f32 $2.000000030e-01, v53;
	v8 =	vmul.f32 v8, v3;
	v15 =	vmin.f32 v52, $0.0e+00  }
0x8c: {  	v10 =	vadd.f32 v17, v50;
	[tilespmem:s16+$0x110] =	vst v9;
	v11 =	vmax.f32 v11, $0.0e+00;
	v56 =	vmul.f32 $2.000000030e-01, v15  }
0x8d: {  	v9 =	vadd.f32 v54, v11;
	[tilespmem:s18+$0x130] =	vst v8;
	v8 =	vmax.f32 v52, $0.0e+00  }
0x8e: {  	v10 =	vmul.f32 v10, v6;
	v8 =	vadd.f32 v56, v8  }
0x8f: {  	v55 =	vld [tilespmem:s18+$0x110];
	v9 =	vmul.f32 v9, v7  }
0x90: {  	[tilespmem:s18+$0x160] =	vst v10;
	v57 =	vld [tilespmem:s18+$0x2900];
	v8 =	vmul.f32 v8, v0  }
0x91: {  	v58 =	vld [tilespmem:s18+$0x2970];
	[tilespmem:s16+$0x170] =	vst v9  }
0x92: {  	v9 =	vld [tilespmem:s18+$0x170];
	[tilespmem:s16+$0x100] =	vst v8  }
0x93: {  	v8 =	vld [tilespmem:s18+$0x100];
	_ =	sdelay $0x2  }
0x94: {  	v59 =	vadd.f32 v43, v55  }
0x95: {  	v9 =	vadd.f32 v58, v9  }
0x96: {  	v60 =	vmin.f32 v59, $0.0e+00;
	v8 =	vadd.f32 v57, v8  }
0x97: {  	v10 =	vmul.f32 $2.000000030e-01, v60;
	v61 =	vmin.f32 v9, $0.0e+00  }
0x98: {  	v12 =	vmax.f32 v59, $0.0e+00;
	v11 =	vmul.f32 $2.000000030e-01, v61;
	v62 =	vmin.f32 v8, $0.0e+00  }
0x99: {  	v10 =	vadd.f32 v10, v12;
	v9 =	vmax.f32 v9, $0.0e+00;
	v63 =	vmul.f32 $2.000000030e-01, v62  }
0x9a: {  	v8 =	vmax.f32 v8, $0.0e+00;
	v9 =	vadd.f32 v11, v9  }
0x9b: {  	v10 =	vmul.f32 v10, v1;
	v8 =	vadd.f32 v63, v8  }
0x9c: {  	v9 =	vmul.f32 v9, v7  }
0x9d: {  	s14 =	sadd.s32 $0x1, s14;
	[tilespmem:s18+$0x110] =	vst v10;
	v8 =	vmul.f32 v8, v0  }
0x9e: {  	s15 =	sshll.u32 s15, $0x4;
	p0 =	sne.s32 s14, $0xFA;
	[tilespmem:s18+$0x170] =	vst v9  }
.Ltmp1:
0x9f: {  	s15 =	sadd.s32 s8, s15;
	[tilespmem:s18+$0x100] =	vst v8;
	(pc) =	sbr.rel @p0 .LBB2_1-.Ltmp1, $4  }
0xa0: {  	[hbm4b:s15+s2] =	stream.linear.scatter [tilespmem:s12], [sflag:$0x1], $0x2800, $0x38;
	[tilespmem:$0x5180] =	vst v63  }
0xa1: {  	_ =	swait.ge [sflag:s3], $0x2800  }
0xa2: {  	[sflag:s3] =	ssyncset.done $0x0  }
0xa3: {  	[sflag:s3] =	ssyncadd.s32 $0xFFFFD800  }
0xa4: {  	_ =	sfence.sel $0x180000  }
0xa5: {  	[bflag:$0x0] =	sbarrier.arrive $0xFFFF  }
0xa6: {  	p0 =	sne.s32 s5, $0x0;
	_ =	strace $0x90000047  }
0xa7: {  	s0 =	sadd.s32 @!p0 $0x100000, s0;
	[bflag:$0x2] =	sbarrier.arrive $0xFFFF  }
0xa8: {  	[sflag:s0] =	ssyncadd.tile.s32 @!p0 $0x1;
	_ =	shalt  }
.Lfunc_end2:
_tile_overlayer_lowered:
.L_overlay_start_2:
0xa9: {  	(tag) =	ssettag $0x2  }
0xaa: {  	s0 =	rddreg [dreg:$0x0];
	s2 =	stileid.u32  }
0xab: {  	s1 =	rddreg [dreg:$0x1];
	p0 =	sne.s32 s2, $0x0  }
0xac: {  	s3 =	rddreg [dreg:$0x2];
	[bflag:$0x3] =	sbarrier.arrive $0xFFFF;
	s2 =	simm.s32 @!p0 $0x1C01  }
0xad: {  	[timem:s3], [sflag:s2] =	dma.local @!p0 [hbm:s0], s1  }
0xae: {  	s0 =	simm.s32 @!p0 $0x1  }
0xaf: {  	_ =	swait.ge @!p0 [sflag:s0], s1  }
0xb0: {  	s1 =	ssub.s32 @!p0 $0x0, s1;
	[sflag:s0] =	ssyncset.done @!p0 $0x0  }
0xb1: {  	[sflag:s0] =	ssyncadd.s32 @!p0 s1  }
0xb2: {  	[bflag:$0x3] =	sbarrier.arrive $0xFFFF  }
0xb3: {  	_ =	shalt  }

</sc_bundles>
